<compile_context>
chip_gen: v7x
topology: tpu7x:2x2x1
jax: 0.10.2.dev20260603
libtpu: 0.0.44.dev20260713+nightly
codegen_flags: <defaults>
</compile_context>

<pallas_src>
import functools

import jax
import jax.numpy as jnp
from jax import lax
from jax.experimental import pallas as pl
from jax.experimental.pallas import tpu as pltpu
from jax.experimental.pallas import tpu_sc as plsc

_B, _L, _D, _H = 16384, 200, 32, 64
_C0, _C1 = 128, 72

_info = plsc.get_sparse_core_info()
_NC, _NS = _info.num_cores, _info.num_subcores
_NW = _NC * _NS
_RPW = _B // _NW
_G = 32
_NGROUPS = _RPW // _G


def _pool_body(idx_hbm, table_hbm, out_hbm, idx_v, buf0, buf1,
               out_v, sem0, sem1):
    wid = lax.axis_index("s") * _NC + lax.axis_index("c")
    base = wid * _RPW

    def issue(r, buf, sem):
        tl, rr = r // 8, r % 8
        pltpu.async_copy(table_hbm.at[idx_v.at[tl, 0, rr]],
                         buf.at[pl.ds(0, _C0)], sem)
        pltpu.async_copy(table_hbm.at[idx_v.at[tl, 1, rr, pl.ds(0, _C1)]],
                         buf.at[pl.ds(_C0, _C1)], sem)

    def wait_full(buf, sem):
        pltpu.make_async_copy(table_hbm.at[pl.ds(0, _L)], buf, sem).wait()

    def acc_store(buf, r):
        z = jnp.zeros((16,), jnp.float32)

        def body(i, accs):
            a0, a1, b0, b1 = accs
            rr = i * 8
            for k in range(8):
                lo = buf[rr + k, pl.ds(0, 16)]
                hi = buf[rr + k, pl.ds(16, 16)]
                if k % 2 == 0:
                    a0, b0 = a0 + lo, b0 + hi
                else:
                    a1, b1 = a1 + lo, b1 + hi
            return (a0, a1, b0, b1)

        a0, a1, b0, b1 = lax.fori_loop(0, _L // 8, body, (z, z, z, z))
        out_v[r, pl.ds(0, 16)] = a0 + a1
        out_v[r, pl.ds(16, 16)] = b0 + b1

    def pair(p, carry):
        r0 = 2 * p
        issue(r0 + 1, buf1, sem1)
        wait_full(buf0, sem0)
        acc_store(buf0, r0)

        @pl.when(p + 1 < _G // 2)
        def _():
            issue(r0 + 2, buf0, sem0)

        wait_full(buf1, sem1)
        acc_store(buf1, r0 + 1)
        return carry

    def group(g, carry):
        row0 = base + g * _G
        pltpu.sync_copy(idx_hbm.at[pl.ds(row0 // 8, _G // 8)], idx_v)
        issue(0, buf0, sem0)
        lax.fori_loop(0, _G // 2, pair, 0)
        pltpu.sync_copy(out_v, out_hbm.at[pl.ds(row0, _G)])
        return carry

    lax.fori_loop(0, _NGROUPS, group, 0)


_pool = functools.partial(
    pl.kernel,
    out_type=jax.ShapeDtypeStruct((_B, _D), jnp.float32),
    mesh=plsc.VectorSubcoreMesh(core_axis_name="c", subcore_axis_name="s"),
    scratch_types=[
        pltpu.VMEM((_G // 8, 2, 8, 128), jnp.int32),
        pltpu.VMEM((_L, _D), jnp.float32),
        pltpu.VMEM((_L, _D), jnp.float32),
        pltpu.VMEM((_G, _D), jnp.float32),
        pltpu.SemaphoreType.DMA,
        pltpu.SemaphoreType.DMA,
    ],
    compiler_params=pltpu.CompilerParams(use_tc_tiling_on_sc=False),
)(_pool_body)


_FT = 4000


def _fmt_body(t_ref, out_ref):
    y = t_ref[...].reshape(_FT // 8, 8, _D)
    out_ref[...] = jnp.concatenate(
        [y, jnp.zeros((_FT // 8, 8, 128 - _D), jnp.float32)], axis=-1)


_fmt = pl.pallas_call(
    _fmt_body,
    grid=(1000000 // _FT,),
    in_specs=[pl.BlockSpec((_FT, _D), lambda i: (i, 0))],
    out_specs=pl.BlockSpec((_FT // 8, 8, 128), lambda i: (i, 0, 0)),
    out_shape=jax.ShapeDtypeStruct((125000, 8, 128), jnp.float32),
)


_BB = 2048


def _mlp_body(idx_ref, ps_ref, w1_ref, b1_ref, w2_ref, b2_ref, out_ref):
    cnt = jnp.sum((idx_ref[...] != 0).astype(jnp.float32), axis=1, keepdims=True)
    denom = jnp.maximum(cnt, 1.0)
    pooled = ps_ref[...] / denom
    h = lax.dot_general(pooled, w1_ref[...], (((1,), (1,)), ((), ())),
                        preferred_element_type=jnp.float32)
    h = jnp.maximum(h + b1_ref[...], 0.0)
    o = jnp.sum(h * w2_ref[...], axis=1, keepdims=True)
    out_ref[...] = o + b2_ref[0, 0]


_mlp = pl.pallas_call(
    _mlp_body,
    grid=(_B // _BB,),
    in_specs=[
        pl.BlockSpec((_BB, _L), lambda i: (i, 0)),
        pl.BlockSpec((_BB, _D), lambda i: (i, 0)),
        pl.BlockSpec((_H, _D), lambda i: (0, 0)),
        pl.BlockSpec((1, _H), lambda i: (0, 0)),
        pl.BlockSpec((1, _H), lambda i: (0, 0)),
        pl.BlockSpec(memory_space=pltpu.SMEM),
    ],
    out_specs=pl.BlockSpec((_BB, 1), lambda i: (i, 0)),
    out_shape=jax.ShapeDtypeStruct((_B, 1), jnp.float32),
)


def kernel(indices, table, W1, b1, W2, b2):
    idx = indices.astype(jnp.int32)
    idx_lin = jnp.pad(idx * 4, ((0, 0), (0, 256 - _L)))
    idx_lin = idx_lin.reshape(_B // 8, 8, 2, 128).transpose(0, 2, 1, 3)
    table_lin = _fmt(table).reshape(4 * 1000000, _D)
    pooled_sum = _pool(idx_lin, table_lin)
    out = _mlp(idx, pooled_sum, W1, b1.reshape(1, _H), W2, b2.reshape(1, 1))
    return out.reshape(_B)

# --- scband reference (transcript-rebuilt; emitter-appended) ---
"""Pipeline reference for scband-classical-text-classifier-70789650973140 (READ-ONLY COPY).

The authoritative reference and input builder live on the scoring server;
editing this copy changes nothing except your own understanding.
"""

import jax, jax.numpy as jnp
import numpy as np

VOCAB, D, H, B, L = 1000000, 32, 64, 16384, 200

def setup_inputs(seed: int = 0) -> dict:
    key = jax.random.key(seed)
    k1, k2, k3, k4 = jax.random.split(key, 4)
    indices = jax.random.randint(k1, (B, L), 0, VOCAB)
    table = jax.random.normal(k2, (VOCAB, D), dtype=jnp.float32) * 0.02
    table = table.at[0].set(0.0)  # padding_idx=0 row is zeros
    W1 = jax.random.normal(k3, (H, D), dtype=jnp.float32) * 0.05
    b1 = jnp.zeros((H,), dtype=jnp.float32)
    W2 = jax.random.normal(k4, (1, H), dtype=jnp.float32) * 0.05
    b2 = jnp.zeros((1,), dtype=jnp.float32)
    return {"indices": indices, "table": table, "W1": W1, "b1": b1, "W2": W2, "b2": b2}

def reference(indices, table, W1, b1, W2, b2):
    # mask out padding tokens (pad_idx = 0)
    mask = (indices != 0)[..., None].astype(jnp.float32)  # [B, L, 1]
    emb = jnp.take(table, indices, axis=0)                # [B, L, D] gather
    denom = jnp.clip(jnp.sum(mask, axis=1), 1.0, None)    # [B, 1]
    pooled = jnp.sum(emb * mask, axis=1) / denom          # [B, D] masked mean pool
    h = jax.nn.relu(pooled @ W1.T + b1)                   # [B, H]
    out = h @ W2.T + b2                                   # [B, 1]
    return out.squeeze(-1)                                # [B]

if __name__ == "__main__":
    import jax
    _d = setup_inputs()
    print(jax.jit(kernel)(*tuple(_d.values())))

</pallas_src>

<mosaic_0001>
#map = affine_map<(d0, d1) -> (0, 0, 0, 0)>
#map1 = affine_map<(d0, d1) -> (0, 0)>
module attributes {stable_mosaic.version = 14 : i64} {
  func.func @_pool_body(%arg0: i32, %arg1: i32, %arg2: memref<2048x2x8x128xi32, #tpu.memory_space<hbm>>, %arg3: memref<4000000x32xf32, #tpu.memory_space<hbm>>, %arg4: memref<16384x32xf32, #tpu.memory_space<hbm>>, %arg5: memref<4x2x8x128xi32, #tpu.memory_space<vmem>>, %arg6: memref<200x32xf32, #tpu.memory_space<vmem>>, %arg7: memref<200x32xf32, #tpu.memory_space<vmem>>, %arg8: memref<32x32xf32, #tpu.memory_space<vmem>>, %arg9: memref<!tpu.dma_semaphore, #tpu.memory_space<semaphore_mem>>, %arg10: memref<!tpu.dma_semaphore, #tpu.memory_space<semaphore_mem>>) attributes {dimension_semantics = [#tpu.dimension_semantics<core_parallel>, #tpu.dimension_semantics<subcore_parallel>], iteration_bounds = array<i64: 2, 16>, scalar_prefetch = 0 : i64, scratch_operands = 6 : i64, tpu.core_type = #tpu.core_type<sc_vector_subcore>, window_params = [{transform_indices = #map}, {transform_indices = #map1}, {transform_indices = #map1}]} {
    %mul3A = arith.constant 2 : i32
    %mul3A_0 = arith.muli %arg1, %mul3A : i32
    %add3A = arith.addi %mul3A_0, %arg0 : i32
    %mul3A_1 = arith.constant 512 : i32
    %mul3A_2 = arith.muli %add3A, %mul3A_1 : i32
    %scan3A = arith.constant 0 : i32
    %scan3A_3 = arith.constant 0 : i32
    %scan3A_4 = arith.constant 16 : i32
    %scan3A_5 = arith.addi %scan3A_3, %scan3A_4 : i32
    %scan3A_6 = arith.constant 1 : i32
    scf.for %scan3A_8 = %scan3A_3 to %scan3A_5 step %scan3A_6  : i32 {
      %mul3A_9 = arith.constant 32 : i32
      %mul3A_10 = arith.muli %scan3A_8, %mul3A_9 : i32
      %add3A_11 = arith.addi %mul3A_2, %mul3A_10 : i32
      %jit3A = arith.constant 8 : i32
      %div3A = arith.divsi %add3A_11, %jit3A : i32
      %sign3A = arith.constant 0 : i32
      %sign3A_12 = arith.cmpi sgt, %add3A_11, %sign3A : i32
      %sign3A_13 = arith.extui %sign3A_12 : i1 to i32
      %sign3A_14 = arith.constant 0 : i32
      %sign3A_15 = arith.cmpi slt, %add3A_11, %sign3A_14 : i32
      %sign3A_16 = arith.extui %sign3A_15 : i1 to i32
      %sign3A_17 = arith.subi %sign3A_13, %sign3A_16 : i32
      %sign3A_18 = arith.constant 0 : i32
      %sign3A_19 = arith.cmpi sgt, %jit3A, %sign3A_18 : i32
      %sign3A_20 = arith.extui %sign3A_19 : i1 to i32
      %sign3A_21 = arith.constant 0 : i32
      %sign3A_22 = arith.cmpi slt, %jit3A, %sign3A_21 : i32
      %sign3A_23 = arith.extui %sign3A_22 : i1 to i32
      %sign3A_24 = arith.subi %sign3A_20, %sign3A_23 : i32
      %ne3A = arith.cmpi ne, %sign3A_17, %sign3A_24 : i32
      %rem3A = arith.remsi %add3A_11, %jit3A : i32
      %ne3A_25 = arith.constant 0 : i32
      %ne3A_26 = arith.cmpi ne, %rem3A, %ne3A_25 : i32
      %and3A = arith.andi %ne3A, %ne3A_26 : i1
      %sub3A = arith.constant 1 : i32
      %sub3A_27 = arith.subi %div3A, %sub3A : i32
      %select_n3A = arith.select %and3A, %sub3A_27, %div3A : i32
      "tpu.region"() ({
        %run_scoped3A = tpu.sem_alloc : memref<!tpu.dma_semaphore, #tpu.memory_space<semaphore_mem>>
        %dma_start3A_57 = arith.constant 0 : i32
        %dma_start3A_58 = arith.constant 0 : i32
        %dma_start3A_59 = arith.constant 0 : i32
        %dma_start3A_60 = tpu.memref_slice %arg2[%select_n3A, %dma_start3A_57, %dma_start3A_58, %dma_start3A_59] : memref<2048x2x8x128xi32, #tpu.memory_space<hbm>> -> memref<4x2x8x128xi32, #tpu.memory_space<hbm>>
        %dma_start3A_61 = arith.constant 0 : i32
        %dma_start3A_62 = arith.constant 0 : i32
        %dma_start3A_63 = arith.constant 0 : i32
        %dma_start3A_64 = tpu.memref_slice %arg2[%select_n3A, %dma_start3A_61, %dma_start3A_62, %dma_start3A_63] : memref<2048x2x8x128xi32, #tpu.memory_space<hbm>> -> memref<4x2x8x128xi32, #tpu.memory_space<hbm>>
        tpu.enqueue_dma source(%dma_start3A_64 : memref<4x2x8x128xi32, #tpu.memory_space<hbm>>) target(%arg5 : memref<4x2x8x128xi32, #tpu.memory_space<vmem>>) target_semaphore(%run_scoped3A : memref<!tpu.dma_semaphore, #tpu.memory_space<semaphore_mem>>)
        %dma_wait3A = arith.constant 0 : i32
        %dma_wait3A_65 = arith.constant 0 : i32
        %dma_wait3A_66 = arith.constant 0 : i32
        %dma_wait3A_67 = tpu.memref_slice %arg2[%select_n3A, %dma_wait3A, %dma_wait3A_65, %dma_wait3A_66] : memref<2048x2x8x128xi32, #tpu.memory_space<hbm>> -> memref<4x2x8x128xi32, #tpu.memory_space<hbm>>
        %dma_wait3A_68 = arith.constant 0 : i32
        %dma_wait3A_69 = arith.constant 0 : i32
        %dma_wait3A_70 = arith.constant 0 : i32
        %dma_wait3A_71 = tpu.memref_slice %arg2[%select_n3A, %dma_wait3A_68, %dma_wait3A_69, %dma_wait3A_70] : memref<2048x2x8x128xi32, #tpu.memory_space<hbm>> -> memref<4x2x8x128xi32, #tpu.memory_space<hbm>>
        tpu.wait_dma2 semaphore(%run_scoped3A : memref<!tpu.dma_semaphore, #tpu.memory_space<semaphore_mem>>) src(%dma_wait3A_71 : memref<4x2x8x128xi32, #tpu.memory_space<hbm>>) dst(%arg5 : memref<4x2x8x128xi32, #tpu.memory_space<vmem>>)
        tpu.yield
      }) : () -> ()
      %dma_start3A = arith.constant 0 : i32
      %dma_start3A_28 = arith.constant 0 : i32
      %dma_start3A_29 = arith.constant 0 : i32
      %dma_start3A_30 = arith.constant 0 : i32
      %dma_start3A_31 = arith.constant 0 : i32
      %dma_start3A_32 = tpu.memref_slice %arg6[%dma_start3A_30, %dma_start3A_31] : memref<200x32xf32, #tpu.memory_space<vmem>> -> memref<128x32xf32, #tpu.memory_space<vmem>>
      %dma_start3A_33 = arith.constant 0 : i32
      %dma_start3A_34 = tpu.memref_slice %arg5[%dma_start3A, %dma_start3A_28, %dma_start3A_29, %dma_start3A_33] : memref<4x2x8x128xi32, #tpu.memory_space<vmem>> -> memref<1x1x1x128xi32, #tpu.memory_space<vmem>>
      %dma_start3A_35 = tpu.memref_squeeze %dma_start3A_34 : memref<1x1x1x128xi32, #tpu.memory_space<vmem>> -> memref<128xi32, #tpu.memory_space<vmem>>
      %dma_start3A_36 = arith.constant 0 : i32
      %dma_start3A_37 = arith.constant 0 : i32
      %dma_start3A_38 = tpu.memref_slice %arg3[%dma_start3A_36, %dma_start3A_37] : memref<4000000x32xf32, #tpu.memory_space<hbm>> -> memref<4000000x32xf32, #tpu.memory_space<hbm>>
      tpu.enqueue_indirect_dma source(%dma_start3A_38 : memref<4000000x32xf32, #tpu.memory_space<hbm>>) target(%dma_start3A_32 : memref<128x32xf32, #tpu.memory_space<vmem>>) offsets(%dma_start3A_35 : memref<128xi32, #tpu.memory_space<vmem>>) semaphore(%arg9 : memref<!tpu.dma_semaphore, #tpu.memory_space<semaphore_mem>>)
      %dma_start3A_39 = arith.constant 0 : i32
      %dma_start3A_40 = arith.constant 1 : i32
      %dma_start3A_41 = arith.constant 0 : i32
      %dma_start3A_42 = arith.constant 128 : i32
      %dma_start3A_43 = arith.constant 0 : i32
      %dma_start3A_44 = tpu.memref_slice %arg6[%dma_start3A_42, %dma_start3A_43] : memref<200x32xf32, #tpu.memory_space<vmem>> -> memref<72x32xf32, #tpu.memory_space<vmem>>
      %dma_start3A_45 = arith.constant 0 : i32
      %dma_start3A_46 = tpu.memref_slice %arg5[%dma_start3A_39, %dma_start3A_40, %dma_start3A_41, %dma_start3A_45] : memref<4x2x8x128xi32, #tpu.memory_space<vmem>> -> memref<1x1x1x72xi32, #tpu.memory_space<vmem>>
      %dma_start3A_47 = tpu.memref_squeeze %dma_start3A_46 : memref<1x1x1x72xi32, #tpu.memory_space<vmem>> -> memref<72xi32, #tpu.memory_space<vmem>>
      %dma_start3A_48 = arith.constant 0 : i32
      %dma_start3A_49 = arith.constant 0 : i32
      %dma_start3A_50 = tpu.memref_slice %arg3[%dma_start3A_48, %dma_start3A_49] : memref<4000000x32xf32, #tpu.memory_space<hbm>> -> memref<4000000x32xf32, #tpu.memory_space<hbm>>
      tpu.enqueue_indirect_dma source(%dma_start3A_50 : memref<4000000x32xf32, #tpu.memory_space<hbm>>) target(%dma_start3A_44 : memref<72x32xf32, #tpu.memory_space<vmem>>) offsets(%dma_start3A_47 : memref<72xi32, #tpu.memory_space<vmem>>) semaphore(%arg9 : memref<!tpu.dma_semaphore, #tpu.memory_space<semaphore_mem>>)
      %scan3A_51 = arith.constant 0 : i32
      %scan3A_52 = arith.constant 0 : i32
      %scan3A_53 = arith.constant 16 : i32
      %scan3A_54 = arith.addi %scan3A_52, %scan3A_53 : i32
      %scan3A_55 = arith.constant 1 : i32
      scf.for %scan3A_57 = %scan3A_52 to %scan3A_54 step %scan3A_55  : i32 {
        %mul3A_58 = arith.constant 2 : i32
        %mul3A_59 = arith.muli %mul3A_58, %scan3A_57 : i32
        %add3A_60 = arith.constant 1 : i32
        %add3A_61 = arith.addi %mul3A_59, %add3A_60 : i32
        %jit3A_62 = arith.constant 8 : i32
        %div3A_63 = arith.divsi %add3A_61, %jit3A_62 : i32
        %sign3A_64 = arith.constant 0 : i32
        %sign3A_65 = arith.cmpi sgt, %add3A_61, %sign3A_64 : i32
        %sign3A_66 = arith.extui %sign3A_65 : i1 to i32
        %sign3A_67 = arith.constant 0 : i32
        %sign3A_68 = arith.cmpi slt, %add3A_61, %sign3A_67 : i32
        %sign3A_69 = arith.extui %sign3A_68 : i1 to i32
        %sign3A_70 = arith.subi %sign3A_66, %sign3A_69 : i32
        %sign3A_71 = arith.constant 0 : i32
        %sign3A_72 = arith.cmpi sgt, %jit3A_62, %sign3A_71 : i32
        %sign3A_73 = arith.extui %sign3A_72 : i1 to i32
        %sign3A_74 = arith.constant 0 : i32
        %sign3A_75 = arith.cmpi slt, %jit3A_62, %sign3A_74 : i32
        %sign3A_76 = arith.extui %sign3A_75 : i1 to i32
        %sign3A_77 = arith.subi %sign3A_73, %sign3A_76 : i32
        %ne3A_78 = arith.cmpi ne, %sign3A_70, %sign3A_77 : i32
        %rem3A_79 = arith.remsi %add3A_61, %jit3A_62 : i32
        %ne3A_80 = arith.constant 0 : i32
        %ne3A_81 = arith.cmpi ne, %rem3A_79, %ne3A_80 : i32
        %and3A_82 = arith.andi %ne3A_78, %ne3A_81 : i1
        %sub3A_83 = arith.constant 1 : i32
        %sub3A_84 = arith.subi %div3A_63, %sub3A_83 : i32
        %select_n3A_85 = arith.select %and3A_82, %sub3A_84, %div3A_63 : i32
        %jit3A_86 = arith.constant 8 : i32
        %eq3A = arith.constant 0 : i32
        %eq3A_87 = arith.cmpi eq, %jit3A_86, %eq3A : i32
        %jit3A_88 = arith.constant 1 : i32
        %select_n3A_89 = arith.select %eq3A_87, %jit3A_88, %jit3A_86 : i32
        %rem3A_90 = arith.remsi %add3A_61, %select_n3A_89 : i32
        %ne3A_91 = arith.constant 0 : i32
        %ne3A_92 = arith.cmpi ne, %rem3A_90, %ne3A_91 : i32
        %lt3A = arith.constant 0 : i32
        %lt3A_93 = arith.cmpi slt, %rem3A_90, %lt3A : i32
        %lt3A_94 = arith.constant 0 : i32
        %lt3A_95 = arith.cmpi slt, %select_n3A_89, %lt3A_94 : i32
        %ne3A_96 = arith.xori %lt3A_93, %lt3A_95 : i1
        %and3A_97 = arith.andi %ne3A_96, %ne3A_92 : i1
        %add3A_98 = arith.addi %rem3A_90, %select_n3A_89 : i32
        %select_n3A_99 = arith.select %and3A_97, %add3A_98, %rem3A_90 : i32
        %dma_start3A_100 = arith.constant 0 : i32
        %dma_start3A_101 = arith.constant 0 : i32
        %dma_start3A_102 = arith.constant 0 : i32
        %dma_start3A_103 = tpu.memref_slice %arg7[%dma_start3A_101, %dma_start3A_102] : memref<200x32xf32, #tpu.memory_space<vmem>> -> memref<128x32xf32, #tpu.memory_space<vmem>>
        %dma_start3A_104 = arith.constant 0 : i32
        %dma_start3A_105 = tpu.memref_slice %arg5[%select_n3A_85, %dma_start3A_100, %select_n3A_99, %dma_start3A_104] : memref<4x2x8x128xi32, #tpu.memory_space<vmem>> -> memref<1x1x1x128xi32, #tpu.memory_space<vmem>>
        %dma_start3A_106 = tpu.memref_squeeze %dma_start3A_105 : memref<1x1x1x128xi32, #tpu.memory_space<vmem>> -> memref<128xi32, #tpu.memory_space<vmem>>
        %dma_start3A_107 = arith.constant 0 : i32
        %dma_start3A_108 = arith.constant 0 : i32
        %dma_start3A_109 = tpu.memref_slice %arg3[%dma_start3A_107, %dma_start3A_108] : memref<4000000x32xf32, #tpu.memory_space<hbm>> -> memref<4000000x32xf32, #tpu.memory_space<hbm>>
        tpu.enqueue_indirect_dma source(%dma_start3A_109 : memref<4000000x32xf32, #tpu.memory_space<hbm>>) target(%dma_start3A_103 : memref<128x32xf32, #tpu.memory_space<vmem>>) offsets(%dma_start3A_106 : memref<128xi32, #tpu.memory_space<vmem>>) semaphore(%arg10 : memref<!tpu.dma_semaphore, #tpu.memory_space<semaphore_mem>>)
        %dma_start3A_110 = arith.constant 1 : i32
        %dma_start3A_111 = arith.constant 128 : i32
        %dma_start3A_112 = arith.constant 0 : i32
        %dma_start3A_113 = tpu.memref_slice %arg7[%dma_start3A_111, %dma_start3A_112] : memref<200x32xf32, #tpu.memory_space<vmem>> -> memref<72x32xf32, #tpu.memory_space<vmem>>
        %dma_start3A_114 = arith.constant 0 : i32
        %dma_start3A_115 = tpu.memref_slice %arg5[%select_n3A_85, %dma_start3A_110, %select_n3A_99, %dma_start3A_114] : memref<4x2x8x128xi32, #tpu.memory_space<vmem>> -> memref<1x1x1x72xi32, #tpu.memory_space<vmem>>
        %dma_start3A_116 = tpu.memref_squeeze %dma_start3A_115 : memref<1x1x1x72xi32, #tpu.memory_space<vmem>> -> memref<72xi32, #tpu.memory_space<vmem>>
        %dma_start3A_117 = arith.constant 0 : i32
        %dma_start3A_118 = arith.constant 0 : i32
        %dma_start3A_119 = tpu.memref_slice %arg3[%dma_start3A_117, %dma_start3A_118] : memref<4000000x32xf32, #tpu.memory_space<hbm>> -> memref<4000000x32xf32, #tpu.memory_space<hbm>>
        tpu.enqueue_indirect_dma source(%dma_start3A_119 : memref<4000000x32xf32, #tpu.memory_space<hbm>>) target(%dma_start3A_113 : memref<72x32xf32, #tpu.memory_space<vmem>>) offsets(%dma_start3A_116 : memref<72xi32, #tpu.memory_space<vmem>>) semaphore(%arg10 : memref<!tpu.dma_semaphore, #tpu.memory_space<semaphore_mem>>)
        %dma_wait3A = arith.constant 0 : i32
        %dma_wait3A_120 = arith.constant 0 : i32
        %dma_wait3A_121 = tpu.memref_slice %arg3[%dma_wait3A, %dma_wait3A_120] : memref<4000000x32xf32, #tpu.memory_space<hbm>> -> memref<200x32xf32, #tpu.memory_space<hbm>>
        %dma_wait3A_122 = arith.constant 0 : i32
        %dma_wait3A_123 = arith.constant 0 : i32
        %dma_wait3A_124 = tpu.memref_slice %arg3[%dma_wait3A_122, %dma_wait3A_123] : memref<4000000x32xf32, #tpu.memory_space<hbm>> -> memref<200x32xf32, #tpu.memory_space<hbm>>
        tpu.wait_dma2 semaphore(%arg9 : memref<!tpu.dma_semaphore, #tpu.memory_space<semaphore_mem>>) src(%dma_wait3A_124 : memref<200x32xf32, #tpu.memory_space<hbm>>) dst(%arg6 : memref<200x32xf32, #tpu.memory_space<vmem>>)
        %broadcast_in_dim3A = arith.constant 0.000000e+00 : f32
        %broadcast_in_dim3A_125 = vector.broadcast %broadcast_in_dim3A : f32 to vector<16xf32>
        %scan3A_126 = arith.constant 0 : i32
        %scan3A_127 = arith.constant 25 : i32
        %scan3A_128 = arith.addi %scan3A_126, %scan3A_127 : i32
        %scan3A_129 = arith.constant 1 : i32
        %scan3A_130:4 = scf.for %scan3A_176 = %scan3A_126 to %scan3A_128 step %scan3A_129 iter_args(%scan3A_177 = %broadcast_in_dim3A_125, %scan3A_178 = %broadcast_in_dim3A_125, %scan3A_179 = %broadcast_in_dim3A_125, %scan3A_180 = %broadcast_in_dim3A_125) -> (vector<16xf32>, vector<16xf32>, vector<16xf32>, vector<16xf32>)  : i32 {
          %mul3A_181 = arith.constant 8 : i32
          %mul3A_182 = arith.muli %scan3A_176, %mul3A_181 : i32
          %add3A_183 = arith.constant 0 : i32
          %add3A_184 = arith.addi %mul3A_182, %add3A_183 : i32
          %get3A = arith.index_cast %add3A_184 : i32 to index
          %get3A_185 = arith.constant 0 : index
          %get3A_186 = tpu.vector_load %arg6[%get3A, %get3A_185] {strides = array<i32>} : memref<200x32xf32, #tpu.memory_space<vmem>>, vector<1x16xf32>,
          %get3A_187 = vector.shape_cast %get3A_186 : vector<1x16xf32> to vector<16xf32>
          %add3A_188 = arith.constant 0 : i32
          %add3A_189 = arith.addi %mul3A_182, %add3A_188 : i32
          %get3A_190 = arith.index_cast %add3A_189 : i32 to index
          %get3A_191 = arith.constant 16 : index
          %get3A_192 = tpu.vector_load %arg6[%get3A_190, %get3A_191] {strides = array<i32>} : memref<200x32xf32, #tpu.memory_space<vmem>>, vector<1x16xf32>,
          %get3A_193 = vector.shape_cast %get3A_192 : vector<1x16xf32> to vector<16xf32>
          %add3A_194 = arith.addf %scan3A_177, %get3A_187 : vector<16xf32>
          %add3A_195 = arith.addf %scan3A_179, %get3A_193 : vector<16xf32>
          %add3A_196 = arith.constant 1 : i32
          %add3A_197 = arith.addi %mul3A_182, %add3A_196 : i32
          %get3A_198 = arith.index_cast %add3A_197 : i32 to index
          %get3A_199 = arith.constant 0 : index
          %get3A_200 = tpu.vector_load %arg6[%get3A_198, %get3A_199] {strides = array<i32>} : memref<200x32xf32, #tpu.memory_space<vmem>>, vector<1x16xf32>,
          %get3A_201 = vector.shape_cast %get3A_200 : vector<1x16xf32> to vector<16xf32>
          %add3A_202 = arith.constant 1 : i32
          %add3A_203 = arith.addi %mul3A_182, %add3A_202 : i32
          %get3A_204 = arith.index_cast %add3A_203 : i32 to index
          %get3A_205 = arith.constant 16 : index
          %get3A_206 = tpu.vector_load %arg6[%get3A_204, %get3A_205] {strides = array<i32>} : memref<200x32xf32, #tpu.memory_space<vmem>>, vector<1x16xf32>,
          %get3A_207 = vector.shape_cast %get3A_206 : vector<1x16xf32> to vector<16xf32>
          %add3A_208 = arith.addf %scan3A_178, %get3A_201 : vector<16xf32>
          %add3A_209 = arith.addf %scan3A_180, %get3A_207 : vector<16xf32>
          %add3A_210 = arith.constant 2 : i32
          %add3A_211 = arith.addi %mul3A_182, %add3A_210 : i32
          %get3A_212 = arith.index_cast %add3A_211 : i32 to index
          %get3A_213 = arith.constant 0 : index
          %get3A_214 = tpu.vector_load %arg6[%get3A_212, %get3A_213] {strides = array<i32>} : memref<200x32xf32, #tpu.memory_space<vmem>>, vector<1x16xf32>,
          %get3A_215 = vector.shape_cast %get3A_214 : vector<1x16xf32> to vector<16xf32>
          %add3A_216 = arith.constant 2 : i32
          %add3A_217 = arith.addi %mul3A_182, %add3A_216 : i32
          %get3A_218 = arith.index_cast %add3A_217 : i32 to index
          %get3A_219 = arith.constant 16 : index
          %get3A_220 = tpu.vector_load %arg6[%get3A_218, %get3A_219] {strides = array<i32>} : memref<200x32xf32, #tpu.memory_space<vmem>>, vector<1x16xf32>,
          %get3A_221 = vector.shape_cast %get3A_220 : vector<1x16xf32> to vector<16xf32>
          %add3A_222 = arith.addf %add3A_194, %get3A_215 : vector<16xf32>
          %add3A_223 = arith.addf %add3A_195, %get3A_221 : vector<16xf32>
          %add3A_224 = arith.constant 3 : i32
          %add3A_225 = arith.addi %mul3A_182, %add3A_224 : i32
          %get3A_226 = arith.index_cast %add3A_225 : i32 to index
          %get3A_227 = arith.constant 0 : index
          %get3A_228 = tpu.vector_load %arg6[%get3A_226, %get3A_227] {strides = array<i32>} : memref<200x32xf32, #tpu.memory_space<vmem>>, vector<1x16xf32>,
          %get3A_229 = vector.shape_cast %get3A_228 : vector<1x16xf32> to vector<16xf32>
          %add3A_230 = arith.constant 3 : i32
          %add3A_231 = arith.addi %mul3A_182, %add3A_230 : i32
          %get3A_232 = arith.index_cast %add3A_231 : i32 to index
          %get3A_233 = arith.constant 16 : index
          %get3A_234 = tpu.vector_load %arg6[%get3A_232, %get3A_233] {strides = array<i32>} : memref<200x32xf32, #tpu.memory_space<vmem>>, vector<1x16xf32>,
          %get3A_235 = vector.shape_cast %get3A_234 : vector<1x16xf32> to vector<16xf32>
          %add3A_236 = arith.addf %add3A_208, %get3A_229 : vector<16xf32>
          %add3A_237 = arith.addf %add3A_209, %get3A_235 : vector<16xf32>
          %add3A_238 = arith.constant 4 : i32
          %add3A_239 = arith.addi %mul3A_182, %add3A_238 : i32
          %get3A_240 = arith.index_cast %add3A_239 : i32 to index
          %get3A_241 = arith.constant 0 : index
          %get3A_242 = tpu.vector_load %arg6[%get3A_240, %get3A_241] {strides = array<i32>} : memref<200x32xf32, #tpu.memory_space<vmem>>, vector<1x16xf32>,
          %get3A_243 = vector.shape_cast %get3A_242 : vector<1x16xf32> to vector<16xf32>
          %add3A_244 = arith.constant 4 : i32
          %add3A_245 = arith.addi %mul3A_182, %add3A_244 : i32
          %get3A_246 = arith.index_cast %add3A_245 : i32 to index
          %get3A_247 = arith.constant 16 : index
          %get3A_248 = tpu.vector_load %arg6[%get3A_246, %get3A_247] {strides = array<i32>} : memref<200x32xf32, #tpu.memory_space<vmem>>, vector<1x16xf32>,
          %get3A_249 = vector.shape_cast %get3A_248 : vector<1x16xf32> to vector<16xf32>
          %add3A_250 = arith.addf %add3A_222, %get3A_243 : vector<16xf32>
          %add3A_251 = arith.addf %add3A_223, %get3A_249 : vector<16xf32>
          %add3A_252 = arith.constant 5 : i32
          %add3A_253 = arith.addi %mul3A_182, %add3A_252 : i32
          %get3A_254 = arith.index_cast %add3A_253 : i32 to index
          %get3A_255 = arith.constant 0 : index
          %get3A_256 = tpu.vector_load %arg6[%get3A_254, %get3A_255] {strides = array<i32>} : memref<200x32xf32, #tpu.memory_space<vmem>>, vector<1x16xf32>,
          %get3A_257 = vector.shape_cast %get3A_256 : vector<1x16xf32> to vector<16xf32>
          %add3A_258 = arith.constant 5 : i32
          %add3A_259 = arith.addi %mul3A_182, %add3A_258 : i32
          %get3A_260 = arith.index_cast %add3A_259 : i32 to index
          %get3A_261 = arith.constant 16 : index
          %get3A_262 = tpu.vector_load %arg6[%get3A_260, %get3A_261] {strides = array<i32>} : memref<200x32xf32, #tpu.memory_space<vmem>>, vector<1x16xf32>,
          %get3A_263 = vector.shape_cast %get3A_262 : vector<1x16xf32> to vector<16xf32>
          %add3A_264 = arith.addf %add3A_236, %get3A_257 : vector<16xf32>
          %add3A_265 = arith.addf %add3A_237, %get3A_263 : vector<16xf32>
          %add3A_266 = arith.constant 6 : i32
          %add3A_267 = arith.addi %mul3A_182, %add3A_266 : i32
          %get3A_268 = arith.index_cast %add3A_267 : i32 to index
          %get3A_269 = arith.constant 0 : index
          %get3A_270 = tpu.vector_load %arg6[%get3A_268, %get3A_269] {strides = array<i32>} : memref<200x32xf32, #tpu.memory_space<vmem>>, vector<1x16xf32>,
          %get3A_271 = vector.shape_cast %get3A_270 : vector<1x16xf32> to vector<16xf32>
          %add3A_272 = arith.constant 6 : i32
          %add3A_273 = arith.addi %mul3A_182, %add3A_272 : i32
          %get3A_274 = arith.index_cast %add3A_273 : i32 to index
          %get3A_275 = arith.constant 16 : index
          %get3A_276 = tpu.vector_load %arg6[%get3A_274, %get3A_275] {strides = array<i32>} : memref<200x32xf32, #tpu.memory_space<vmem>>, vector<1x16xf32>,
          %get3A_277 = vector.shape_cast %get3A_276 : vector<1x16xf32> to vector<16xf32>
          %add3A_278 = arith.addf %add3A_250, %get3A_271 : vector<16xf32>
          %add3A_279 = arith.addf %add3A_251, %get3A_277 : vector<16xf32>
          %add3A_280 = arith.constant 7 : i32
          %add3A_281 = arith.addi %mul3A_182, %add3A_280 : i32
          %get3A_282 = arith.index_cast %add3A_281 : i32 to index
          %get3A_283 = arith.constant 0 : index
          %get3A_284 = tpu.vector_load %arg6[%get3A_282, %get3A_283] {strides = array<i32>} : memref<200x32xf32, #tpu.memory_space<vmem>>, vector<1x16xf32>,
          %get3A_285 = vector.shape_cast %get3A_284 : vector<1x16xf32> to vector<16xf32>
          %add3A_286 = arith.constant 7 : i32
          %add3A_287 = arith.addi %mul3A_182, %add3A_286 : i32
          %get3A_288 = arith.index_cast %add3A_287 : i32 to index
          %get3A_289 = arith.constant 16 : index
          %get3A_290 = tpu.vector_load %arg6[%get3A_288, %get3A_289] {strides = array<i32>} : memref<200x32xf32, #tpu.memory_space<vmem>>, vector<1x16xf32>,
          %get3A_291 = vector.shape_cast %get3A_290 : vector<1x16xf32> to vector<16xf32>
          %add3A_292 = arith.addf %add3A_264, %get3A_285 : vector<16xf32>
          %add3A_293 = arith.addf %add3A_265, %get3A_291 : vector<16xf32>
          scf.yield %add3A_278, %add3A_292, %add3A_279, %add3A_293 : vector<16xf32>, vector<16xf32>, vector<16xf32>, vector<16xf32>
        }
        %scan3A_131 = arith.constant 25 : i32
        %add3A_132 = arith.addf %scan3A_130#0, %scan3A_130#1 : vector<16xf32>
        %swap3A = arith.index_cast %mul3A_59 : i32 to index
        %swap3A_133 = arith.constant 0 : index
        %swap3A_134 = tpu.vector_load %arg8[%swap3A, %swap3A_133] {strides = array<i32>} : memref<32x32xf32, #tpu.memory_space<vmem>>, vector<1x16xf32>,
        %swap3A_135 = vector.shape_cast %swap3A_134 : vector<1x16xf32> to vector<16xf32>
        %swap3A_136 = vector.shape_cast %add3A_132 : vector<16xf32> to vector<1x16xf32>
        tpu.vector_store %arg8[%swap3A, %swap3A_133], %swap3A_136 {strides = array<i32>} : memref<32x32xf32, #tpu.memory_space<vmem>>, vector<1x16xf32>,
        %add3A_137 = arith.addf %scan3A_130#2, %scan3A_130#3 : vector<16xf32>
        %swap3A_138 = arith.index_cast %mul3A_59 : i32 to index
        %swap3A_139 = arith.constant 16 : index
        %swap3A_140 = tpu.vector_load %arg8[%swap3A_138, %swap3A_139] {strides = array<i32>} : memref<32x32xf32, #tpu.memory_space<vmem>>, vector<1x16xf32>,
        %swap3A_141 = vector.shape_cast %swap3A_140 : vector<1x16xf32> to vector<16xf32>
        %swap3A_142 = vector.shape_cast %add3A_137 : vector<16xf32> to vector<1x16xf32>
        tpu.vector_store %arg8[%swap3A_138, %swap3A_139], %swap3A_142 {strides = array<i32>} : memref<32x32xf32, #tpu.memory_space<vmem>>, vector<1x16xf32>,
        %add3A_143 = arith.constant 1 : i32
        %add3A_144 = arith.addi %scan3A_57, %add3A_143 : i32
        %lt3A_145 = arith.constant 16 : i32
        %lt3A_146 = arith.cmpi slt, %add3A_144, %lt3A_145 : i32
        %convert_element_type3A = arith.extui %lt3A_146 : i1 to i32
        %cond3A = arith.constant 0 : i32
        %cond3A_147 = arith.cmpi ne, %convert_element_type3A, %cond3A : i32
        scf.if %cond3A_147 {
          %add3A_176 = arith.constant 2 : i32
          %add3A_177 = arith.addi %mul3A_59, %add3A_176 : i32
          %jit3A_178 = arith.constant 8 : i32
          %div3A_179 = arith.divsi %add3A_177, %jit3A_178 : i32
          %sign3A_180 = arith.constant 0 : i32
          %sign3A_181 = arith.cmpi sgt, %add3A_177, %sign3A_180 : i32
          %sign3A_182 = arith.extui %sign3A_181 : i1 to i32
          %sign3A_183 = arith.constant 0 : i32
          %sign3A_184 = arith.cmpi slt, %add3A_177, %sign3A_183 : i32
          %sign3A_185 = arith.extui %sign3A_184 : i1 to i32
          %sign3A_186 = arith.subi %sign3A_182, %sign3A_185 : i32
          %sign3A_187 = arith.constant 0 : i32
          %sign3A_188 = arith.cmpi sgt, %jit3A_178, %sign3A_187 : i32
          %sign3A_189 = arith.extui %sign3A_188 : i1 to i32
          %sign3A_190 = arith.constant 0 : i32
          %sign3A_191 = arith.cmpi slt, %jit3A_178, %sign3A_190 : i32
          %sign3A_192 = arith.extui %sign3A_191 : i1 to i32
          %sign3A_193 = arith.subi %sign3A_189, %sign3A_192 : i32
          %ne3A_194 = arith.cmpi ne, %sign3A_186, %sign3A_193 : i32
          %rem3A_195 = arith.remsi %add3A_177, %jit3A_178 : i32
          %ne3A_196 = arith.constant 0 : i32
          %ne3A_197 = arith.cmpi ne, %rem3A_195, %ne3A_196 : i32
          %and3A_198 = arith.andi %ne3A_194, %ne3A_197 : i1
          %sub3A_199 = arith.constant 1 : i32
          %sub3A_200 = arith.subi %div3A_179, %sub3A_199 : i32
          %select_n3A_201 = arith.select %and3A_198, %sub3A_200, %div3A_179 : i32
          %jit3A_202 = arith.constant 8 : i32
          %eq3A_203 = arith.constant 0 : i32
          %eq3A_204 = arith.cmpi eq, %jit3A_202, %eq3A_203 : i32
          %jit3A_205 = arith.constant 1 : i32
          %select_n3A_206 = arith.select %eq3A_204, %jit3A_205, %jit3A_202 : i32
          %rem3A_207 = arith.remsi %add3A_177, %select_n3A_206 : i32
          %ne3A_208 = arith.constant 0 : i32
          %ne3A_209 = arith.cmpi ne, %rem3A_207, %ne3A_208 : i32
          %lt3A_210 = arith.constant 0 : i32
          %lt3A_211 = arith.cmpi slt, %rem3A_207, %lt3A_210 : i32
          %lt3A_212 = arith.constant 0 : i32
          %lt3A_213 = arith.cmpi slt, %select_n3A_206, %lt3A_212 : i32
          %ne3A_214 = arith.xori %lt3A_211, %lt3A_213 : i1
          %and3A_215 = arith.andi %ne3A_214, %ne3A_209 : i1
          %add3A_216 = arith.addi %rem3A_207, %select_n3A_206 : i32
          %select_n3A_217 = arith.select %and3A_215, %add3A_216, %rem3A_207 : i32
          %dma_start3A_218 = arith.constant 0 : i32
          %dma_start3A_219 = arith.constant 0 : i32
          %dma_start3A_220 = arith.constant 0 : i32
          %dma_start3A_221 = tpu.memref_slice %arg6[%dma_start3A_219, %dma_start3A_220] : memref<200x32xf32, #tpu.memory_space<vmem>> -> memref<128x32xf32, #tpu.memory_space<vmem>>
          %dma_start3A_222 = arith.constant 0 : i32
          %dma_start3A_223 = tpu.memref_slice %arg5[%select_n3A_201, %dma_start3A_218, %select_n3A_217, %dma_start3A_222] : memref<4x2x8x128xi32, #tpu.memory_space<vmem>> -> memref<1x1x1x128xi32, #tpu.memory_space<vmem>>
          %dma_start3A_224 = tpu.memref_squeeze %dma_start3A_223 : memref<1x1x1x128xi32, #tpu.memory_space<vmem>> -> memref<128xi32, #tpu.memory_space<vmem>>
          %dma_start3A_225 = arith.constant 0 : i32
          %dma_start3A_226 = arith.constant 0 : i32
          %dma_start3A_227 = tpu.memref_slice %arg3[%dma_start3A_225, %dma_start3A_226] : memref<4000000x32xf32, #tpu.memory_space<hbm>> -> memref<4000000x32xf32, #tpu.memory_space<hbm>>
          tpu.enqueue_indirect_dma source(%dma_start3A_227 : memref<4000000x32xf32, #tpu.memory_space<hbm>>) target(%dma_start3A_221 : memref<128x32xf32, #tpu.memory_space<vmem>>) offsets(%dma_start3A_224 : memref<128xi32, #tpu.memory_space<vmem>>) semaphore(%arg9 : memref<!tpu.dma_semaphore, #tpu.memory_space<semaphore_mem>>)
          %dma_start3A_228 = arith.constant 1 : i32
          %dma_start3A_229 = arith.constant 128 : i32
          %dma_start3A_230 = arith.constant 0 : i32
          %dma_start3A_231 = tpu.memref_slice %arg6[%dma_start3A_229, %dma_start3A_230] : memref<200x32xf32, #tpu.memory_space<vmem>> -> memref<72x32xf32, #tpu.memory_space<vmem>>
          %dma_start3A_232 = arith.constant 0 : i32
          %dma_start3A_233 = tpu.memref_slice %arg5[%select_n3A_201, %dma_start3A_228, %select_n3A_217, %dma_start3A_232] : memref<4x2x8x128xi32, #tpu.memory_space<vmem>> -> memref<1x1x1x72xi32, #tpu.memory_space<vmem>>
          %dma_start3A_234 = tpu.memref_squeeze %dma_start3A_233 : memref<1x1x1x72xi32, #tpu.memory_space<vmem>> -> memref<72xi32, #tpu.memory_space<vmem>>
          %dma_start3A_235 = arith.constant 0 : i32
          %dma_start3A_236 = arith.constant 0 : i32
          %dma_start3A_237 = tpu.memref_slice %arg3[%dma_start3A_235, %dma_start3A_236] : memref<4000000x32xf32, #tpu.memory_space<hbm>> -> memref<4000000x32xf32, #tpu.memory_space<hbm>>
          tpu.enqueue_indirect_dma source(%dma_start3A_237 : memref<4000000x32xf32, #tpu.memory_space<hbm>>) target(%dma_start3A_231 : memref<72x32xf32, #tpu.memory_space<vmem>>) offsets(%dma_start3A_234 : memref<72xi32, #tpu.memory_space<vmem>>) semaphore(%arg9 : memref<!tpu.dma_semaphore, #tpu.memory_space<semaphore_mem>>)
        } else {
        }
        %dma_wait3A_148 = arith.constant 0 : i32
        %dma_wait3A_149 = arith.constant 0 : i32
        %dma_wait3A_150 = tpu.memref_slice %arg3[%dma_wait3A_148, %dma_wait3A_149] : memref<4000000x32xf32, #tpu.memory_space<hbm>> -> memref<200x32xf32, #tpu.memory_space<hbm>>
        %dma_wait3A_151 = arith.constant 0 : i32
        %dma_wait3A_152 = arith.constant 0 : i32
        %dma_wait3A_153 = tpu.memref_slice %arg3[%dma_wait3A_151, %dma_wait3A_152] : memref<4000000x32xf32, #tpu.memory_space<hbm>> -> memref<200x32xf32, #tpu.memory_space<hbm>>
        tpu.wait_dma2 semaphore(%arg10 : memref<!tpu.dma_semaphore, #tpu.memory_space<semaphore_mem>>) src(%dma_wait3A_153 : memref<200x32xf32, #tpu.memory_space<hbm>>) dst(%arg7 : memref<200x32xf32, #tpu.memory_space<vmem>>)
        %add3A_154 = arith.constant 1 : i32
        %add3A_155 = arith.addi %mul3A_59, %add3A_154 : i32
        %broadcast_in_dim3A_156 = arith.constant 0.000000e+00 : f32
        %broadcast_in_dim3A_157 = vector.broadcast %broadcast_in_dim3A_156 : f32 to vector<16xf32>
        %scan3A_158 = arith.constant 0 : i32
        %scan3A_159 = arith.constant 25 : i32
        %scan3A_160 = arith.addi %scan3A_158, %scan3A_159 : i32
        %scan3A_161 = arith.constant 1 : i32
        %scan3A_162:4 = scf.for %scan3A_176 = %scan3A_158 to %scan3A_160 step %scan3A_161 iter_args(%scan3A_177 = %broadcast_in_dim3A_157, %scan3A_178 = %broadcast_in_dim3A_157, %scan3A_179 = %broadcast_in_dim3A_157, %scan3A_180 = %broadcast_in_dim3A_157) -> (vector<16xf32>, vector<16xf32>, vector<16xf32>, vector<16xf32>)  : i32 {
          %mul3A_181 = arith.constant 8 : i32
          %mul3A_182 = arith.muli %scan3A_176, %mul3A_181 : i32
          %add3A_183 = arith.constant 0 : i32
          %add3A_184 = arith.addi %mul3A_182, %add3A_183 : i32
          %get3A = arith.index_cast %add3A_184 : i32 to index
          %get3A_185 = arith.constant 0 : index
          %get3A_186 = tpu.vector_load %arg7[%get3A, %get3A_185] {strides = array<i32>} : memref<200x32xf32, #tpu.memory_space<vmem>>, vector<1x16xf32>,
          %get3A_187 = vector.shape_cast %get3A_186 : vector<1x16xf32> to vector<16xf32>
          %add3A_188 = arith.constant 0 : i32
          %add3A_189 = arith.addi %mul3A_182, %add3A_188 : i32
          %get3A_190 = arith.index_cast %add3A_189 : i32 to index
          %get3A_191 = arith.constant 16 : index
          %get3A_192 = tpu.vector_load %arg7[%get3A_190, %get3A_191] {strides = array<i32>} : memref<200x32xf32, #tpu.memory_space<vmem>>, vector<1x16xf32>,
          %get3A_193 = vector.shape_cast %get3A_192 : vector<1x16xf32> to vector<16xf32>
          %add3A_194 = arith.addf %scan3A_177, %get3A_187 : vector<16xf32>
          %add3A_195 = arith.addf %scan3A_179, %get3A_193 : vector<16xf32>
          %add3A_196 = arith.constant 1 : i32
          %add3A_197 = arith.addi %mul3A_182, %add3A_196 : i32
          %get3A_198 = arith.index_cast %add3A_197 : i32 to index
          %get3A_199 = arith.constant 0 : index
          %get3A_200 = tpu.vector_load %arg7[%get3A_198, %get3A_199] {strides = array<i32>} : memref<200x32xf32, #tpu.memory_space<vmem>>, vector<1x16xf32>,
          %get3A_201 = vector.shape_cast %get3A_200 : vector<1x16xf32> to vector<16xf32>
          %add3A_202 = arith.constant 1 : i32
          %add3A_203 = arith.addi %mul3A_182, %add3A_202 : i32
          %get3A_204 = arith.index_cast %add3A_203 : i32 to index
          %get3A_205 = arith.constant 16 : index
          %get3A_206 = tpu.vector_load %arg7[%get3A_204, %get3A_205] {strides = array<i32>} : memref<200x32xf32, #tpu.memory_space<vmem>>, vector<1x16xf32>,
          %get3A_207 = vector.shape_cast %get3A_206 : vector<1x16xf32> to vector<16xf32>
          %add3A_208 = arith.addf %scan3A_178, %get3A_201 : vector<16xf32>
          %add3A_209 = arith.addf %scan3A_180, %get3A_207 : vector<16xf32>
          %add3A_210 = arith.constant 2 : i32
          %add3A_211 = arith.addi %mul3A_182, %add3A_210 : i32
          %get3A_212 = arith.index_cast %add3A_211 : i32 to index
          %get3A_213 = arith.constant 0 : index
          %get3A_214 = tpu.vector_load %arg7[%get3A_212, %get3A_213] {strides = array<i32>} : memref<200x32xf32, #tpu.memory_space<vmem>>, vector<1x16xf32>,
          %get3A_215 = vector.shape_cast %get3A_214 : vector<1x16xf32> to vector<16xf32>
          %add3A_216 = arith.constant 2 : i32
          %add3A_217 = arith.addi %mul3A_182, %add3A_216 : i32
          %get3A_218 = arith.index_cast %add3A_217 : i32 to index
          %get3A_219 = arith.constant 16 : index
          %get3A_220 = tpu.vector_load %arg7[%get3A_218, %get3A_219] {strides = array<i32>} : memref<200x32xf32, #tpu.memory_space<vmem>>, vector<1x16xf32>,
          %get3A_221 = vector.shape_cast %get3A_220 : vector<1x16xf32> to vector<16xf32>
          %add3A_222 = arith.addf %add3A_194, %get3A_215 : vector<16xf32>
          %add3A_223 = arith.addf %add3A_195, %get3A_221 : vector<16xf32>
          %add3A_224 = arith.constant 3 : i32
          %add3A_225 = arith.addi %mul3A_182, %add3A_224 : i32
          %get3A_226 = arith.index_cast %add3A_225 : i32 to index
          %get3A_227 = arith.constant 0 : index
          %get3A_228 = tpu.vector_load %arg7[%get3A_226, %get3A_227] {strides = array<i32>} : memref<200x32xf32, #tpu.memory_space<vmem>>, vector<1x16xf32>,
          %get3A_229 = vector.shape_cast %get3A_228 : vector<1x16xf32> to vector<16xf32>
          %add3A_230 = arith.constant 3 : i32
          %add3A_231 = arith.addi %mul3A_182, %add3A_230 : i32
          %get3A_232 = arith.index_cast %add3A_231 : i32 to index
          %get3A_233 = arith.constant 16 : index
          %get3A_234 = tpu.vector_load %arg7[%get3A_232, %get3A_233] {strides = array<i32>} : memref<200x32xf32, #tpu.memory_space<vmem>>, vector<1x16xf32>,
          %get3A_235 = vector.shape_cast %get3A_234 : vector<1x16xf32> to vector<16xf32>
          %add3A_236 = arith.addf %add3A_208, %get3A_229 : vector<16xf32>
          %add3A_237 = arith.addf %add3A_209, %get3A_235 : vector<16xf32>
          %add3A_238 = arith.constant 4 : i32
          %add3A_239 = arith.addi %mul3A_182, %add3A_238 : i32
          %get3A_240 = arith.index_cast %add3A_239 : i32 to index
          %get3A_241 = arith.constant 0 : index
          %get3A_242 = tpu.vector_load %arg7[%get3A_240, %get3A_241] {strides = array<i32>} : memref<200x32xf32, #tpu.memory_space<vmem>>, vector<1x16xf32>,
          %get3A_243 = vector.shape_cast %get3A_242 : vector<1x16xf32> to vector<16xf32>
          %add3A_244 = arith.constant 4 : i32
          %add3A_245 = arith.addi %mul3A_182, %add3A_244 : i32
          %get3A_246 = arith.index_cast %add3A_245 : i32 to index
          %get3A_247 = arith.constant 16 : index
          %get3A_248 = tpu.vector_load %arg7[%get3A_246, %get3A_247] {strides = array<i32>} : memref<200x32xf32, #tpu.memory_space<vmem>>, vector<1x16xf32>,
          %get3A_249 = vector.shape_cast %get3A_248 : vector<1x16xf32> to vector<16xf32>
          %add3A_250 = arith.addf %add3A_222, %get3A_243 : vector<16xf32>
          %add3A_251 = arith.addf %add3A_223, %get3A_249 : vector<16xf32>
          %add3A_252 = arith.constant 5 : i32
          %add3A_253 = arith.addi %mul3A_182, %add3A_252 : i32
          %get3A_254 = arith.index_cast %add3A_253 : i32 to index
          %get3A_255 = arith.constant 0 : index
          %get3A_256 = tpu.vector_load %arg7[%get3A_254, %get3A_255] {strides = array<i32>} : memref<200x32xf32, #tpu.memory_space<vmem>>, vector<1x16xf32>,
          %get3A_257 = vector.shape_cast %get3A_256 : vector<1x16xf32> to vector<16xf32>
          %add3A_258 = arith.constant 5 : i32
          %add3A_259 = arith.addi %mul3A_182, %add3A_258 : i32
          %get3A_260 = arith.index_cast %add3A_259 : i32 to index
          %get3A_261 = arith.constant 16 : index
          %get3A_262 = tpu.vector_load %arg7[%get3A_260, %get3A_261] {strides = array<i32>} : memref<200x32xf32, #tpu.memory_space<vmem>>, vector<1x16xf32>,
          %get3A_263 = vector.shape_cast %get3A_262 : vector<1x16xf32> to vector<16xf32>
          %add3A_264 = arith.addf %add3A_236, %get3A_257 : vector<16xf32>
          %add3A_265 = arith.addf %add3A_237, %get3A_263 : vector<16xf32>
          %add3A_266 = arith.constant 6 : i32
          %add3A_267 = arith.addi %mul3A_182, %add3A_266 : i32
          %get3A_268 = arith.index_cast %add3A_267 : i32 to index
          %get3A_269 = arith.constant 0 : index
          %get3A_270 = tpu.vector_load %arg7[%get3A_268, %get3A_269] {strides = array<i32>} : memref<200x32xf32, #tpu.memory_space<vmem>>, vector<1x16xf32>,
          %get3A_271 = vector.shape_cast %get3A_270 : vector<1x16xf32> to vector<16xf32>
          %add3A_272 = arith.constant 6 : i32
          %add3A_273 = arith.addi %mul3A_182, %add3A_272 : i32
          %get3A_274 = arith.index_cast %add3A_273 : i32 to index
          %get3A_275 = arith.constant 16 : index
          %get3A_276 = tpu.vector_load %arg7[%get3A_274, %get3A_275] {strides = array<i32>} : memref<200x32xf32, #tpu.memory_space<vmem>>, vector<1x16xf32>,
          %get3A_277 = vector.shape_cast %get3A_276 : vector<1x16xf32> to vector<16xf32>
          %add3A_278 = arith.addf %add3A_250, %get3A_271 : vector<16xf32>
          %add3A_279 = arith.addf %add3A_251, %get3A_277 : vector<16xf32>
          %add3A_280 = arith.constant 7 : i32
          %add3A_281 = arith.addi %mul3A_182, %add3A_280 : i32
          %get3A_282 = arith.index_cast %add3A_281 : i32 to index
          %get3A_283 = arith.constant 0 : index
          %get3A_284 = tpu.vector_load %arg7[%get3A_282, %get3A_283] {strides = array<i32>} : memref<200x32xf32, #tpu.memory_space<vmem>>, vector<1x16xf32>,
          %get3A_285 = vector.shape_cast %get3A_284 : vector<1x16xf32> to vector<16xf32>
          %add3A_286 = arith.constant 7 : i32
          %add3A_287 = arith.addi %mul3A_182, %add3A_286 : i32
          %get3A_288 = arith.index_cast %add3A_287 : i32 to index
          %get3A_289 = arith.constant 16 : index
          %get3A_290 = tpu.vector_load %arg7[%get3A_288, %get3A_289] {strides = array<i32>} : memref<200x32xf32, #tpu.memory_space<vmem>>, vector<1x16xf32>,
          %get3A_291 = vector.shape_cast %get3A_290 : vector<1x16xf32> to vector<16xf32>
          %add3A_292 = arith.addf %add3A_264, %get3A_285 : vector<16xf32>
          %add3A_293 = arith.addf %add3A_265, %get3A_291 : vector<16xf32>
          scf.yield %add3A_278, %add3A_292, %add3A_279, %add3A_293 : vector<16xf32>, vector<16xf32>, vector<16xf32>, vector<16xf32>
        }
        %scan3A_163 = arith.constant 25 : i32
        %add3A_164 = arith.addf %scan3A_162#0, %scan3A_162#1 : vector<16xf32>
        %swap3A_165 = arith.index_cast %add3A_155 : i32 to index
        %swap3A_166 = arith.constant 0 : index
        %swap3A_167 = tpu.vector_load %arg8[%swap3A_165, %swap3A_166] {strides = array<i32>} : memref<32x32xf32, #tpu.memory_space<vmem>>, vector<1x16xf32>,
        %swap3A_168 = vector.shape_cast %swap3A_167 : vector<1x16xf32> to vector<16xf32>
        %swap3A_169 = vector.shape_cast %add3A_164 : vector<16xf32> to vector<1x16xf32>
        tpu.vector_store %arg8[%swap3A_165, %swap3A_166], %swap3A_169 {strides = array<i32>} : memref<32x32xf32, #tpu.memory_space<vmem>>, vector<1x16xf32>,
        %add3A_170 = arith.addf %scan3A_162#2, %scan3A_162#3 : vector<16xf32>
        %swap3A_171 = arith.index_cast %add3A_155 : i32 to index
        %swap3A_172 = arith.constant 16 : index
        %swap3A_173 = tpu.vector_load %arg8[%swap3A_171, %swap3A_172] {strides = array<i32>} : memref<32x32xf32, #tpu.memory_space<vmem>>, vector<1x16xf32>,
        %swap3A_174 = vector.shape_cast %swap3A_173 : vector<1x16xf32> to vector<16xf32>
        %swap3A_175 = vector.shape_cast %add3A_170 : vector<16xf32> to vector<1x16xf32>
        tpu.vector_store %arg8[%swap3A_171, %swap3A_172], %swap3A_175 {strides = array<i32>} : memref<32x32xf32, #tpu.memory_space<vmem>>, vector<1x16xf32>,
      }
      %scan3A_56 = arith.constant 16 : i32
      "tpu.region"() ({
        %run_scoped3A = tpu.sem_alloc : memref<!tpu.dma_semaphore, #tpu.memory_space<semaphore_mem>>
        %dma_start3A_57 = arith.constant 0 : i32
        %dma_start3A_58 = tpu.memref_slice %arg4[%add3A_11, %dma_start3A_57] : memref<16384x32xf32, #tpu.memory_space<hbm>> -> memref<32x32xf32, #tpu.memory_space<hbm>>
        %dma_start3A_59 = arith.constant 0 : i32
        %dma_start3A_60 = tpu.memref_slice %arg4[%add3A_11, %dma_start3A_59] : memref<16384x32xf32, #tpu.memory_space<hbm>> -> memref<32x32xf32, #tpu.memory_space<hbm>>
        tpu.enqueue_dma source(%arg8 : memref<32x32xf32, #tpu.memory_space<vmem>>) target(%dma_start3A_60 : memref<32x32xf32, #tpu.memory_space<hbm>>) target_semaphore(%run_scoped3A : memref<!tpu.dma_semaphore, #tpu.memory_space<semaphore_mem>>)
        %dma_wait3A = arith.constant 0 : i32
        %dma_wait3A_61 = tpu.memref_slice %arg4[%add3A_11, %dma_wait3A] : memref<16384x32xf32, #tpu.memory_space<hbm>> -> memref<32x32xf32, #tpu.memory_space<hbm>>
        %dma_wait3A_62 = arith.constant 0 : i32
        %dma_wait3A_63 = tpu.memref_slice %arg4[%add3A_11, %dma_wait3A_62] : memref<16384x32xf32, #tpu.memory_space<hbm>> -> memref<32x32xf32, #tpu.memory_space<hbm>>
        tpu.wait_dma2 semaphore(%run_scoped3A : memref<!tpu.dma_semaphore, #tpu.memory_space<semaphore_mem>>) src(%arg8 : memref<32x32xf32, #tpu.memory_space<vmem>>) dst(%dma_wait3A_63 : memref<32x32xf32, #tpu.memory_space<hbm>>)
        tpu.yield
      }) : () -> ()
    }
    %scan3A_7 = arith.constant 16 : i32
    return
  }
}

module attributes {stable_mosaic.version = 14 : i64} {
  func.func @_fmt_body(%arg0: i32, %arg1: memref<4000x32xf32, #tpu.memory_space<vmem>>, %arg2: memref<500x8x128xf32, #tpu.memory_space<vmem>>) attributes {dimension_semantics = [#tpu.dimension_semantics<arbitrary>], iteration_bounds = array<i64: 250>, scalar_prefetch = 0 : i64, scratch_operands = 0 : i64, tpu.core_type = #tpu.core_type<tc>, window_params = [{transform_indices = @transform_0, window_bounds = array<i64: 4000, 32>}, {transform_indices = @transform_1, window_bounds = array<i64: 500, 8, 128>}]} {
    %get3A = arith.constant 0 : index
    %get3A_0 = arith.constant 0 : index
    %get3A_1 = vector.load %arg1[%get3A, %get3A_0] : memref<4000x32xf32, #tpu.memory_space<vmem>>, vector<4000x32xf32>
    %reshape3A = vector.shape_cast %get3A_1 : vector<4000x32xf32> to vector<500x8x32xf32>
    %broadcast_in_dim3A = arith.constant 0.000000e+00 : f32
    %broadcast_in_dim3A_2 = vector.broadcast %broadcast_in_dim3A : f32 to vector<500x8x96xf32>
    %concatenate3A = tpu.concatenate %reshape3A, %broadcast_in_dim3A_2 in 2 : vector<500x8x32xf32>, vector<500x8x96xf32> -> vector<500x8x128xf32>
    %swap3A = arith.constant 0 : index
    %swap3A_3 = arith.constant 0 : index
    %swap3A_4 = arith.constant 0 : index
    %swap3A_5 = vector.load %arg2[%swap3A, %swap3A_3, %swap3A_4] : memref<500x8x128xf32, #tpu.memory_space<vmem>>, vector<500x8x128xf32>
    tpu.vector_store %arg2[%swap3A, %swap3A_3, %swap3A_4], %concatenate3A {strides = array<i32>} : memref<500x8x128xf32, #tpu.memory_space<vmem>>, vector<500x8x128xf32>,
    return
  }
  func.func @transform_0(%arg0: i32) -> (i32, i32) {
    %c0_i32 = arith.constant 0 : i32
    %c0_i32_0 = arith.constant 0 : i32
    return %arg0, %c0_i32 : i32, i32
  }
  func.func @transform_1(%arg0: i32) -> (i32, i32, i32) {
    %c0_i32 = arith.constant 0 : i32
    %c0_i32_0 = arith.constant 0 : i32
    %c0_i32_1 = arith.constant 0 : i32
    return %arg0, %c0_i32, %c0_i32_0 : i32, i32, i32
  }
}

module attributes {stable_mosaic.version = 14 : i64} {
  func.func @_mlp_body(%arg0: i32, %arg1: memref<2048x200xi32, #tpu.memory_space<vmem>>, %arg2: memref<2048x32xf32, #tpu.memory_space<vmem>>, %arg3: memref<64x32xf32, #tpu.memory_space<vmem>>, %arg4: memref<1x64xf32, #tpu.memory_space<vmem>>, %arg5: memref<1x64xf32, #tpu.memory_space<vmem>>, %arg6: memref<1x1xf32, #tpu.memory_space<smem>>, %arg7: memref<2048x1xf32, #tpu.memory_space<vmem>>) attributes {dimension_semantics = [#tpu.dimension_semantics<arbitrary>], iteration_bounds = array<i64: 8>, scalar_prefetch = 0 : i64, scratch_operands = 0 : i64, tpu.core_type = #tpu.core_type<tc>, window_params = [{transform_indices = @transform_0, window_bounds = array<i64: 2048, 200>}, {transform_indices = @transform_1, window_bounds = array<i64: 2048, 32>}, {pipeline_mode = #tpu.pipeline_mode<synchronous>, transform_indices = @transform_2, window_bounds = array<i64: 64, 32>}, {pipeline_mode = #tpu.pipeline_mode<synchronous>, transform_indices = @transform_3, window_bounds = array<i64: 1, 64>}, {pipeline_mode = #tpu.pipeline_mode<synchronous>, transform_indices = @transform_4, window_bounds = array<i64: 1, 64>}, {transform_indices = @transform_5, window_bounds = array<i64: 1, 1>}, {transform_indices = @transform_6, window_bounds = array<i64: 2048, 1>}]} {
    %get3A = arith.constant 0 : index
    %get3A_0 = arith.constant 0 : index
    %get3A_1 = vector.load %arg1[%get3A, %get3A_0] : memref<2048x200xi32, #tpu.memory_space<vmem>>, vector<2048x200xi32>
    %ne3A = arith.constant 0 : i32
    %ne3A_2 = vector.broadcast %ne3A : i32 to vector<2048x200xi32>
    %ne3A_3 = arith.cmpi ne, %get3A_1, %ne3A_2 : vector<2048x200xi32>
    %convert_element_type3A = arith.extui %ne3A_3 : vector<2048x200xi1> to vector<2048x200xi32>
    %convert_element_type3A_4 = arith.sitofp %convert_element_type3A : vector<2048x200xi32> to vector<2048x200xf32>
    %reduce_sum3A = arith.constant dense<0.000000e+00> : vector<2048xf32>
    %reduce_sum3A_5 = vector.multi_reduction <add>, %convert_element_type3A_4, %reduce_sum3A [1] : vector<2048x200xf32> to vector<2048xf32>
    %broadcast_in_dim3A = vector.shape_cast %reduce_sum3A_5 : vector<2048xf32> to vector<2048x1xf32>
    %max3A = arith.constant 1.000000e+00 : f32
    %max3A_6 = vector.broadcast %max3A : f32 to vector<2048x1xf32>
    %max3A_7 = arith.maximumf %broadcast_in_dim3A, %max3A_6 : vector<2048x1xf32>
    %get3A_8 = arith.constant 0 : index
    %get3A_9 = arith.constant 0 : index
    %get3A_10 = vector.load %arg2[%get3A_8, %get3A_9] : memref<2048x32xf32, #tpu.memory_space<vmem>>, vector<2048x32xf32>
    %div3A = vector.broadcast %max3A_7 : vector<2048x1xf32> to vector<2048x32xf32>
    %div3A_11 = arith.divf %get3A_10, %div3A : vector<2048x32xf32>
    %get3A_12 = arith.constant 0 : index
    %get3A_13 = arith.constant 0 : index
    %get3A_14 = vector.load %arg3[%get3A_12, %get3A_13] : memref<64x32xf32, #tpu.memory_space<vmem>>, vector<64x32xf32>
    %dot_general3A = arith.constant dense<0.000000e+00> : vector<2048x64xf32>
    %dot_general3A_15 = tpu.matmul %div3A_11, %get3A_14, %dot_general3A {dimension_numbers = #tpu.dot_dimension_numbers<[1], [1], [0], [0], [0, 0, 1, 0], [], []>, transpose_lhs_hint = false} : vector<2048x32xf32>, vector<64x32xf32>, vector<2048x64xf32> -> vector<2048x64xf32>
    %get3A_16 = arith.constant 0 : index
    %get3A_17 = arith.constant 0 : index
    %get3A_18 = vector.load %arg4[%get3A_16, %get3A_17] : memref<1x64xf32, #tpu.memory_space<vmem>>, vector<1x64xf32>
    %add3A = vector.broadcast %get3A_18 : vector<1x64xf32> to vector<2048x64xf32>
    %add3A_19 = arith.addf %dot_general3A_15, %add3A : vector<2048x64xf32>
    %max3A_20 = arith.constant 0.000000e+00 : f32
    %max3A_21 = vector.broadcast %max3A_20 : f32 to vector<2048x64xf32>
    %max3A_22 = arith.maximumf %add3A_19, %max3A_21 : vector<2048x64xf32>
    %get3A_23 = arith.constant 0 : index
    %get3A_24 = arith.constant 0 : index
    %get3A_25 = vector.load %arg5[%get3A_23, %get3A_24] : memref<1x64xf32, #tpu.memory_space<vmem>>, vector<1x64xf32>
    %mul3A = vector.broadcast %get3A_25 : vector<1x64xf32> to vector<2048x64xf32>
    %mul3A_26 = arith.mulf %max3A_22, %mul3A : vector<2048x64xf32>
    %reduce_sum3A_27 = arith.constant dense<0.000000e+00> : vector<2048xf32>
    %reduce_sum3A_28 = vector.multi_reduction <add>, %mul3A_26, %reduce_sum3A_27 [1] : vector<2048x64xf32> to vector<2048xf32>
    %broadcast_in_dim3A_29 = vector.shape_cast %reduce_sum3A_28 : vector<2048xf32> to vector<2048x1xf32>
    %get3A_30 = arith.constant 0 : index
    %get3A_31 = arith.constant 0 : index
    %get3A_32 = memref.load %arg6[%get3A_30, %get3A_31] : memref<1x1xf32, #tpu.memory_space<smem>>
    %add3A_33 = vector.broadcast %get3A_32 : f32 to vector<2048x1xf32>
    %add3A_34 = arith.addf %broadcast_in_dim3A_29, %add3A_33 : vector<2048x1xf32>
    %swap3A = arith.constant 0 : index
    %swap3A_35 = arith.constant 0 : index
    %swap3A_36 = vector.load %arg7[%swap3A, %swap3A_35] : memref<2048x1xf32, #tpu.memory_space<vmem>>, vector<2048x1xf32>
    tpu.vector_store %arg7[%swap3A, %swap3A_35], %add3A_34 {strides = array<i32>} : memref<2048x1xf32, #tpu.memory_space<vmem>>, vector<2048x1xf32>,
    return
  }
  func.func @transform_0(%arg0: i32) -> (i32, i32) {
    %c0_i32 = arith.constant 0 : i32
    %c0_i32_0 = arith.constant 0 : i32
    return %arg0, %c0_i32 : i32, i32
  }
  func.func @transform_1(%arg0: i32) -> (i32, i32) {
    %c0_i32 = arith.constant 0 : i32
    %c0_i32_0 = arith.constant 0 : i32
    return %arg0, %c0_i32 : i32, i32
  }
  func.func @transform_2(%arg0: i32) -> (i32, i32) {
    %c0_i32 = arith.constant 0 : i32
    %c0_i32_0 = arith.constant 0 : i32
    %c0_i32_1 = arith.constant 0 : i32
    return %c0_i32, %c0_i32_0 : i32, i32
  }
  func.func @transform_3(%arg0: i32) -> (i32, i32) {
    %c0_i32 = arith.constant 0 : i32
    %c0_i32_0 = arith.constant 0 : i32
    %c0_i32_1 = arith.constant 0 : i32
    return %c0_i32, %c0_i32_0 : i32, i32
  }
  func.func @transform_4(%arg0: i32) -> (i32, i32) {
    %c0_i32 = arith.constant 0 : i32
    %c0_i32_0 = arith.constant 0 : i32
    %c0_i32_1 = arith.constant 0 : i32
    return %c0_i32, %c0_i32_0 : i32, i32
  }
  func.func @transform_5(%arg0: i32) -> (i32, i32) {
    %c0_i32 = arith.constant 0 : i32
    %c0_i32_0 = arith.constant 0 : i32
    %c0_i32_1 = arith.constant 0 : i32
    return %c0_i32, %c0_i32_0 : i32, i32
  }
  func.func @transform_6(%arg0: i32) -> (i32, i32) {
    %c0_i32 = arith.constant 0 : i32
    %c0_i32_0 = arith.constant 0 : i32
    return %arg0, %c0_i32 : i32, i32
  }
}

</mosaic_0001>

<sc_bundles>
// kernel: kernel.5.cloned.1.call-start
scs
__scs_entry_jumppad:
0x0: {  	(pc) =	sbr.rel $0x88, $3  }
0x1: {  	(tag) =	ssettag $0x0;
	lr =	simm.s32 $0x1  }
0x2: {  	[smem:$0x3F9B] =	sst lr;
	_ =	strace $0xD0000000  }
0x3: {  	_ = 	snop  }
0x4: {  	_ = 	snop  }
0x5: {  	_ = 	snop  }
0x6: {  	_ = 	snop  }
0x7: {  	_ = 	snop  }
__scs_overlays_trampoline_lowered:
0x8: {  	[smem:$0x3FAA] =	sst s0  }
0x9: {  	[smem:$0x3FAB] =	sst s1  }
0xa: {  	[smem:$0x3FAC] =	sst s2  }
0xb: {  	[smem:$0x3FAD] =	sst s3  }
0xc: {  	[smem:$0x3FAE] =	sst s4  }
0xd: {  	[smem:$0x3FAF] =	sst s5  }
0xe: {  	[smem:$0x3FB0] =	sst s6  }
0xf: {  	[smem:$0x3FB1] =	sst s7  }
0x10: {  	[smem:$0x3FB2] =	sst s8  }
0x11: {  	[smem:$0x3FB3] =	sst s9;
	s0 =	simm.s32 @!p0 $0x0  }
0x12: {  	s1 =	sld [smem:$0x3F99];
	s0 =	simm.s32 @p0 $0x1  }
0x13: {  	[smem:$0x3FB4] =	sst s0;
	s0 =	simm.s32 @!p1 $0x0  }
0x14: {  	s2 =	sld [smem:$0x3F98];
	s0 =	simm.s32 @p1 $0x1  }
0x15: {  	[smem:$0x3FB5] =	sst s0;
	s0 =	simm.s32 @!p2 $0x0  }
0x16: {  	s3 =	sld [smem:$0x3FDB];
	s0 =	simm.s32 @p2 $0x1  }
0x17: {  	s4 =	simm.s32 $0x1BF5;
	[smem:$0x3FB7] =	sst s0  }
0x18: {  	s0 =	sld [smem:$0x3F9A];
	_ =	swait.ge [sflag:s4], $0x0  }
0x19: {  	s7 =	sld [smem:$0x3F9B]  }
0x1a: {  	s8 =	sadd.s32 $0xFFFFE003, lr  }
0x1b: {  	s9 =	sadd.s32 $0xFFFFFEF7, lr;
	s5 =	simm.s32 $0xFFFFFFFF;
	p2 =	slt.u32 s8, $0xFFFFF086  }
0x1c: {  	p1 =	slt.u32 s9, $0xF7A;
	s5 =	simm.s32 @!p2 $0x0  }
0x1d: {  	s5 =	simm.s32 @p1 $0x1;
	p0 =	seq.s32 s7, s2  }
0x1e: {  	s7 =	smul.u32 @!p0 $0xF7A, s2;
	p2 =	seq.s32 @!p0 s5, $0x0  }
0x1f: {  	s9 =	smul.u32 $0xF7A, s1;
	s8 =	simm.s32 @!p0 $0x1BF5;
	p2 =	por !p2, p0  }
0x20: {  	[sflag:s8] =	ssyncset.s32 @!p0 $0xFFFFF086;
	s6 =	sadd.s32 @!p0 s3, s7;
	s7 =	simm.s32 @!p0 $0x108  }
0x21: {  	s3 =	sadd.s32 s3, s9;
	s6 =	sadd.s32 @!p0 $0x88, s6;
	s7 =	simm.s32 @p2 $0x1082  }
0x22: {  	[simem:s7], [sflag:s8] =	dma.local @!p0 [hbm:s6], $0xF7A  }
0x23: {  	s9 =	sor.u32 $0xD0000000, s2;
	s6 =	simm.s32 $0x108;
	_ =	swait.ge @!p0 [sflag:s8], $0x0  }
0x24: {  	s3 =	sadd.s32 $0x88, s3;
	s6 =	simm.s32 @!p1 $0x1082;
	[sflag:s4] =	ssyncset.s32 $0xFFFFF086  }
0x25: {  	[simem:s6], [sflag:s4] =	dma.local [hbm:s3], $0xF7A  }
0x26: {  	[smem:$0x3F9B] =	sst s1;
	(tag) =	ssettag s2;
	_ =	strace s9  }
0x27: {  	s1 =	sld [smem:$0x3FAB]  }
0x28: {  	s2 =	sld [smem:$0x3FAC]  }
0x29: {  	s4 =	sld [smem:$0x3FAE]  }
0x2a: {  	p0 =	seq.s32 s5, $0x0;
	s5 =	sld [smem:$0x3FAF]  }
0x2b: {  	s6 =	sld [smem:$0x3FB0]  }
0x2c: {  	s7 =	sld [smem:$0x3FB1]  }
0x2d: {  	s3 =	simm.s32 $0x108;
	s8 =	sld [smem:$0x3FB2]  }
0x2e: {  	s3 =	simm.s32 @!p0 $0x1082;
	s9 =	sld [smem:$0x3FB3]  }
0x2f: {  	lr =	sadd.s32 s0, s3;
	s0 =	sld [smem:$0x3FAA]  }
0x30: {  	s3 =	sld [smem:$0x3FAD]  }
0x31: {  	[smem:$0x3FB6] =	sst s10  }
0x32: {  	s10 =	sld [smem:$0x3FB4];
	_ =	sdelay $0x3  }
0x33: {  	p0 =	seq.s32 s10, $0x1;
	s10 =	sld [smem:$0x3FB6];
	_ =	sdelay $0x3  }
0x34: {  	[smem:$0x3FB6] =	sst s10  }
0x35: {  	s10 =	sld [smem:$0x3FB5];
	_ =	sdelay $0x3  }
0x36: {  	p1 =	seq.s32 s10, $0x1;
	s10 =	sld [smem:$0x3FB6];
	_ =	sdelay $0x3  }
0x37: {  	[smem:$0x3FB6] =	sst s10  }
0x38: {  	s10 =	sld [smem:$0x3FB7]  }
0x39: {  	_ = 	snop;
	(pc) =	sbr.ind lr, $3  }
0x3a: {  	_ = 	snop  }
0x3b: {  	_ = 	snop  }
0x3c: {  	p2 =	seq.s32 s10, $0x1;
	s10 =	sld [smem:$0x3FB6]  }
0x3d: {  	_ =	shalt  }
0x3e: {  	_ =	shalt  }
0x3f: {  	_ =	shalt  }
0x40: {  	_ =	shalt  }
0x41: {  	_ =	shalt  }
0x42: {  	_ =	shalt  }
0x43: {  	_ =	shalt  }
0x44: {  	_ =	shalt  }
0x45: {  	_ =	shalt  }
0x46: {  	_ =	shalt  }
0x47: {  	_ =	shalt  }
0x48: {  	_ =	shalt  }
0x49: {  	_ =	shalt  }
0x4a: {  	_ =	shalt  }
0x4b: {  	_ =	shalt  }
0x4c: {  	_ =	shalt  }
0x4d: {  	_ =	shalt  }
0x4e: {  	_ =	shalt  }
0x4f: {  	_ =	shalt  }
0x50: {  	_ =	shalt  }
0x51: {  	_ =	shalt  }
0x52: {  	_ =	shalt  }
0x53: {  	_ =	shalt  }
0x54: {  	_ =	shalt  }
0x55: {  	_ =	shalt  }
0x56: {  	_ =	shalt  }
0x57: {  	_ =	shalt  }
0x58: {  	_ =	shalt  }
0x59: {  	_ =	shalt  }
0x5a: {  	_ =	shalt  }
0x5b: {  	_ =	shalt  }
0x5c: {  	_ =	shalt  }
0x5d: {  	_ =	shalt  }
0x5e: {  	_ =	shalt  }
0x5f: {  	_ =	shalt  }
0x60: {  	_ =	shalt  }
0x61: {  	_ =	shalt  }
0x62: {  	_ =	shalt  }
0x63: {  	_ =	shalt  }
0x64: {  	_ =	shalt  }
0x65: {  	_ =	shalt  }
0x66: {  	_ =	shalt  }
0x67: {  	_ =	shalt  }
0x68: {  	_ =	shalt  }
0x69: {  	_ =	shalt  }
0x6a: {  	_ =	shalt  }
0x6b: {  	_ =	shalt  }
0x6c: {  	_ =	shalt  }
0x6d: {  	_ =	shalt  }
0x6e: {  	_ =	shalt  }
0x6f: {  	_ =	shalt  }
0x70: {  	_ =	shalt  }
0x71: {  	_ =	shalt  }
0x72: {  	_ =	shalt  }
0x73: {  	_ =	shalt  }
0x74: {  	_ =	shalt  }
0x75: {  	_ =	shalt  }
0x76: {  	_ =	shalt  }
0x77: {  	_ =	shalt  }
0x78: {  	_ =	shalt  }
0x79: {  	_ =	shalt  }
0x7a: {  	_ =	shalt  }
0x7b: {  	_ =	shalt  }
0x7c: {  	_ =	shalt  }
0x7d: {  	_ =	shalt  }
0x7e: {  	_ =	shalt  }
0x7f: {  	_ =	shalt  }
0x80: {  	_ =	shalt  }
0x81: {  	_ =	shalt  }
0x82: {  	_ =	shalt  }
0x83: {  	_ =	shalt  }
0x84: {  	_ =	shalt  }
0x85: {  	_ =	shalt  }
0x86: {  	_ =	shalt  }
0x87: {  	_ =	shalt  }
.Lfunc_end0:
.L_simem_size_0:
called_computation_lowered:
.L_overlay_start_0:
0x88: {  	s2 =	sld [smem:$0x3FD9]  }
0x89: {  	s3 =	sld [smem:$0x3FFE];
	_ =	sdelay $0x1  }
0x8a: {  	s1 =	srdreg.scid  }
0x8b: {  	s0 =	sand.u32 $0x1, s1  }
0x8c: {  	s16 =	sshll.u32 s0, $0xA;
	s2 =	sadd.s32 s3, s2  }
0x8d: {  	s2 =	sadd.s32 s2, s16  }
0x8e: {  	[smem:$0x3FC2] =	sst s2  }
0x8f: {  	_ = 	snop  }
0x90: {  	(tm) =	ssettm $0x1  }
0x91: {  	s17 =	sld [smem:$0x3FFB];
	_ =	sdelay $0x3  }
0x92: {  	_ =	strace s17  }
0x93: {  	s2 =	sld [smem:$0x3FFC];
	_ =	sdelay $0x3  }
0x94: {  	_ =	strace s2  }
0x95: {  	s2 =	sld [smem:$0x3FFD];
	_ =	sdelay $0x3  }
0x96: {  	_ =	strace s2  }
0x97: {  	_ =	strace $0x8FFFFFFF  }
0x98: {  	s18 =	sld [smem:$0x3FDB];
	_ =	sdelay $0x1  }
0x99: {  	s19 =	simm.s32 $_scs_section_size  }
0x9a: {  	s4 =	simm.s32 $_size__tile_overlayer_lowered;
	s5 =	simm.s32 $_tile_overlayer_lowered  }
0x9b: {  	s22 =	simm.s32 $0x1BFF;
	s21 =	sshll.u32 s5, $0x1;
	s2 =	sadd.s32 s19, s18  }
0x9c: {  	s6 =	simm.s32 $0x0;
	s20 =	sshll.u32 s4, $0x1;
	s4 =	sadd.s32 s21, s2  }
0x9d: {  	[timem:s6], [sflag:s22] =	dma.local [hbm:s4], s20  }
0x9e: {  	_ =	swait.ge [sflag:s22], s20  }
0x9f: {  	s3 =	ssub.s32 $0x0, s20;
	[sflag:s22] =	ssyncset.done $0x0  }
0xa0: {  	[sflag:s22] =	ssyncadd.s32 s3;
	_ =	sdelay $0x1  }
0xa1: {  	s23 =	simm.s32 $0x1B8B  }
0xa2: {  	_ =	swait.ge [sflag:s23], $0x1  }
0xa3: {  	[sflag:s23] =	ssyncset.done $0x0  }
0xa4: {  	s25 =	simm.s32 $0x1B8E;
	s24 =	sld [smem:$0x3FFE];
	[sflag:s23] =	ssyncadd.s32 $0xFFFFFFFF  }
0xa5: {  	s26 =	simm.s32 $execute0_lowered;
	[smem:$0x3FD2] =	sst s25  }
0xa6: {  	s4 =	sshll.u32 s26, $0x1;
	_ =	strace $0x80000046;
	[dreg:$0x1] =	wrdreg $0xFFFFFFFF  }
0xa7: {  	s28 =	simm.s32 $_size_execute0_lowered;
	s2 =	sadd.s32 s2, s4;
	[dreg:$0x0] =	wrdreg $0x0  }
0xa8: {  	s4 =	sshll.u32 s28, $0x1;
	[dreg:$0x2] =	wrdreg s2  }
0xa9: {  	[dreg:$0x3] =	wrdreg s4  }
0xaa: {  	[dreg:$0x4] =	wrdreg $0xC0  }
0xab: {  	_ =	task [dreg:s6], $0x5FFFF  }
0xac: {  	[dreg:$0x1] =	wrdreg $0xFFFFFFFF  }
0xad: {  	[dreg:$0x0] =	wrdreg $0x60  }
0xae: {  	[dreg:$0x2] =	wrdreg s24  }
0xaf: {  	[dreg:$0x3] =	wrdreg $0x9  }
0xb0: {  	_ =	task.clear_ibuf [dreg:s6], $0x4FFFF;
	_ =	strace $0x90000046  }
0xb1: {  	s29 =	simm.s32 $0x9;
	_ =	strace $0x80000048  }
0xb2: {  	_ =	swait.ge [sflag:s29], $0x1  }
0xb3: {  	[sflag:s29] =	ssyncadd.s32 $0xFFFFFFFF  }
0xb4: {  	_ =	strace $0x90000048  }
0xb5: {  	_ =	sfence  }
0xb6: {  	s30 =	sld [smem:$0x0];
	_ =	sdelay $0x2  }
0xb7: {  	s31 =	sshll.u32 s1, $0xD;
	s1 =	sshrl.u32 s1, $0x2  }
0xb8: {  	s3 =	sand.u32 $0x4000, s31;
	s1 =	sadd.s32 s1, s30  }
0xb9: {  	s0 =	sor.u32 s3, s0;
	s1 =	sshll.u32 s1, $0x11  }
0xba: {  	s0 =	sor.u32 s1, s0  }
0xbb: {  	s0 =	sadd.s32 $0x8F2B, s0  }
0xbc: {  	[sflag:s0] =	ssyncadd.remote.s32 $0x1  }
0xbd: {  	_ =	sfence.sel $0xFFFF  }
0xbe: {  	[dreg:$0x0] =	wrdreg $0xFFFFFFFF;
	(pc) =	sbr.abs _section_cstart, $3  }
0xbf: {  	[dreg:$0x1] =	wrdreg $0xFFFFFFFF  }
0xc0: {  	_ =	task.clear_ibuf [dreg:s6], $0x2FFFF;
	_ =	strace $0x9FFFFFFF  }
0xc1: {  	(tm) =	ssettm $0x7FFFFFFF  }
tec
execute0_lowered:
.L_overlay_start_1:
0x0: {  	(tag) =	ssettag $0x1  }
0x1: {  	s5 =	rddreg [dreg:$0x0]  }
0x2: {  	s0 =	rddreg [dreg:$0x1];
	s1 =	simm.s32 $0x0  }
0x3: {  	s2 =	srdreg.scid;
	s9 =	simm.s32 $0x80;
	s10 =	simm.s32 $0x2000  }
0x4: {  	s11 =	simm.s32 $0x48;
	s12 =	simm.s32 $0x400;
	s13 =	simm.s32 $0x3000  }
0x5: {  	s14 =	simm.s32 $0x3900;
	s15 =	simm.s32 $0x4900;
	s16 =	simm.s32 $0x1  }
0x6: {  	s17 =	simm.s32 $0x2;
	s18 =	simm.s32 $0x5200;
	s19 =	simm.s32 $0x0  }
0x7: {  	[smem:$0x7FF] =	sst s1;
	s6 =	sand.u32 $0x1, s2;
	s3 =	sadd.s32 $0xA00, s5  }
0x8: {  	s4 =	sadd.s32 $0xF42E00, s5;
	s2 =	stileid.u32;
	s7 =	ssub.s32 $0x2, s6  }
0x9: {  	s5 =	sadd.s32 $0x80A00, s5;
	_ =	strace $0x80000047;
	s8 =	sshrl.u32 s7, $0x1  }
0xa: {  	s31 =	sshll.u32 s2, $0xA;
	s6 =	sshll.u32 s6, $0x9;
	s7 =	ssub.s32 s7, s8  }
0xb: {  	s6 =	sor.u32 s6, s31;
	s8 =	simm.s32 $0x3;
	s7 =	smax.u32 s7, $0x1  }
.LBB2_1:
0xc: {  	s20 =	simm.s32 $0x0  }
.LBB2_2:
0xd: {  	s21 =	sshll.u32 s20, $0x5  }
0xe: {  	s21 =	sadd.s32 s6, s21  }
0xf: {  	s22 =	sshll.u32 s21, $0x5  }
0x10: {  	s23 =	simm.s32 $0x0;
	s22 =	sadd.s32 s3, s22  }
0x11: {  	[tilespmem:s23], [sflag:$0x3] =	stream.linear.gather [hbm4b:s22+s23], $0x2000, $0x38;
	[tilespmem:$0x5600] =	vst v63  }
0x12: {  	_ =	swait.ge [sflag:s8], $0x2000  }
0x13: {  	[sflag:s8] =	ssyncset.done $0x0  }
0x14: {  	[sflag:s8] =	ssyncadd.s32 $0xFFFFE000  }
0x15: {  	[tilespmem:s10], [sflag:$0x1] =	stream.indirect.gather [hbm4b:s4+s9], $0x20, s23, s9, $0xb8;
	[tilespmem:$0x5600] =	vst v63  }
0x16: {  	_ = 	snop  }
0x17: {  	[tilespmem:s13], [sflag:$0x1] =	stream.indirect.gather [hbm4b:s4+s11], $0x20, s12, s11, $0xb8;
	[tilespmem:$0x5600] =	vst v63  }
.LBB2_3:
0x18: {  	s24 =	sshll.u32 s23, $0x8  }
0x19: {  	s25 =	sshll.u32 s23, $0x9;
	s22 =	sor.u32 $0x80, s24  }
0x1a: {  	s25 =	sand.u32 $0x1800, s25;
	s26 =	sand.u32 $0x380, s22  }
0x1b: {  	s25 =	sor.u32 s26, s25  }
0x1c: {  	[tilespmem:s14], [sflag:$0x2] =	stream.indirect.gather [hbm4b:s4+s9], $0x20, s25, s9, $0xb8;
	[tilespmem:$0x5600] =	vst v63  }
0x1d: {  	s25 =	sor.u32 $0x400, s25  }
0x1e: {  	[tilespmem:s15], [sflag:$0x2] =	stream.indirect.gather [hbm4b:s4+s11], $0x20, s25, s11, $0xb8;
	[tilespmem:$0x5600] =	vst v63  }
0x1f: {  	_ =	swait.ge [sflag:s16], $0x1900  }
0x20: {  	[sflag:s16] =	ssyncset.done $0x0  }
0x21: {  	s26 =	simm.s32 $0x0;
	[sflag:s16] =	ssyncadd.s32 $0xFFFFE700  }
0x22: {  	v0 =	vld [tilespmem:s26+$0x20C0]  }
0x23: {  	v1 =	vld [tilespmem:s26+$0x20D0]  }
0x24: {  	v2 =	vld [tilespmem:s26+$0x2080]  }
0x25: {  	v3 =	vld [tilespmem:s26+$0x2090]  }
0x26: {  	v4 =	vld [tilespmem:s26+$0x2040]  }
0x27: {  	v5 =	vld [tilespmem:s26+$0x2050]  }
0x28: {  	v10 =	vld [tilespmem:s26+$0x2000]  }
0x29: {  	v6 =	vimm.f32 $0.0e+00;
	v11 =	vld [tilespmem:s26+$0x2010]  }
0x2a: {  	s28 =	simm.s32 $0x400;
	v7 =	vimm.f32 $0.0e+00;
	v9 =	vimm.f32 $0.0e+00;
	v8 =	vimm.f32 $0.0e+00;
	s25 =	sshll.u32 s23, $0x1;
	v12 =	vld [tilespmem:s26+$0x2020]  }
.LBB2_4:
0x2b: {  	p0 =	sne.s32 s28, $0x6000;
	v13 =	vld [tilespmem:s26+$0x2030]  }
0x2c: {  	v14 =	vld [tilespmem:s26+$0x2060]  }
0x2d: {  	v15 =	vld [tilespmem:s26+$0x2070]  }
0x2e: {  	v16 =	vld [tilespmem:s26+$0x20A0]  }
0x2f: {  	v6 =	vadd.f32 v10, v6;
	v7 =	vadd.f32 v11, v7;
	v10 =	vld [tilespmem:s26+$0x20B0]  }
0x30: {  	v9 =	vadd.f32 v12, v9;
	v8 =	vadd.f32 v13, v8;
	v11 =	vld [tilespmem:s26+$0x20E0]  }
0x31: {  	v4 =	vadd.f32 v4, v6;
	v5 =	vadd.f32 v5, v7;
	v12 =	vld [tilespmem:s26+$0x20F0];
	s26 =	sshra.s32 s28, $0x2  }
0x32: {  	v6 =	vadd.f32 v14, v9;
	v13 =	vld [tilespmem:s26+$0x20C0];
	v7 =	vadd.f32 v15, v8  }
0x33: {  	v4 =	vadd.f32 v2, v4;
	v5 =	vadd.f32 v3, v5;
	v14 =	vld [tilespmem:s26+$0x20D0]  }
0x34: {  	v8 =	vadd.f32 v16, v6;
	v2 =	vld [tilespmem:s26+$0x2080];
	v10 =	vadd.f32 v10, v7  }
0x35: {  	v6 =	vadd.f32 v0, v4;
	v7 =	vadd.f32 v1, v5;
	v3 =	vld [tilespmem:s26+$0x2090]  }
.Ltmp0:
0x36: {  	v9 =	vadd.f32 v11, v8;
	v4 =	vld [tilespmem:s26+$0x2040];
	v8 =	vadd.f32 v12, v10;
	(pc) =	sbr.rel @p0 .LBB2_4-.Ltmp0, $4  }
0x37: {  	v5 =	vld [tilespmem:s26+$0x2050];
	v0 =	vmov v13  }
0x38: {  	v10 =	vld [tilespmem:s26+$0x2000];
	v1 =	vmov v14  }
0x39: {  	v11 =	vld [tilespmem:s26+$0x2010]  }
0x3a: {  	s28 =	sadd.s32 $0x400, s28;
	v12 =	vld [tilespmem:s26+$0x2020]  }
0x3b: {  	v13 =	vld [tilespmem:s26+$0x2030]  }
0x3c: {  	v14 =	vld [tilespmem:s26+$0x2060]  }
0x3d: {  	v15 =	vld [tilespmem:s26+$0x2070]  }
0x3e: {  	v16 =	vld [tilespmem:s26+$0x20A0]  }
0x3f: {  	v6 =	vadd.f32 v10, v6;
	v10 =	vld [tilespmem:s26+$0x20B0];
	v9 =	vadd.f32 v12, v9  }
0x40: {  	v7 =	vadd.f32 v11, v7;
	v11 =	vld [tilespmem:s26+$0x20E0];
	v8 =	vadd.f32 v13, v8  }
0x41: {  	v4 =	vadd.f32 v4, v6;
	v6 =	vld [tilespmem:s26+$0x20F0];
	v9 =	vadd.f32 v14, v9  }
0x42: {  	v5 =	vadd.f32 v5, v7;
	v7 =	vadd.f32 v15, v8  }
0x43: {  	v2 =	vadd.f32 v2, v4;
	v4 =	vadd.f32 v16, v9  }
0x44: {  	v3 =	vadd.f32 v3, v5;
	v5 =	vadd.f32 v10, v7  }
0x45: {  	v0 =	vadd.f32 v0, v2;
	v2 =	vadd.f32 v11, v4  }
0x46: {  	p0 =	seq.s32 s23, $0xF;
	v1 =	vadd.f32 v1, v3;
	v3 =	vadd.f32 v6, v5  }
0x47: {  	s25 =	sadd.s32 @!p0 $0x2, s25;
	v0 =	vadd.f32 v2, v0  }
0x48: {  	s24 =	sshra.s32 s24, $0x2;
	s26 =	sshll.u32 @!p0 s25, $0x8;
	s25 =	sshll.u32 @!p0 s25, $0x7;
	v1 =	vadd.f32 v3, v1  }
0x49: {  	s26 =	sand.u32 @!p0 $0x3800, s26;
	s25 =	sand.u32 @!p0 $0x300, s25;
	[tilespmem:s24+$0x5200] =	vst v0  }
0x4a: {  	[tilespmem:s24+$0x5210] =	vst v1;
	s24 =	sor.u32 @!p0 s25, s26;
	s25 =	simm.s32 @!p0 $0x80;
	s26 =	simm.s32 @!p0 $0x2000  }
0x4b: {  	[tilespmem:s26], [sflag:$0x1] =	stream.indirect.gather @!p0 [hbm4b:s4+s25], $0x20, s24, s25, $0xb8;
	[tilespmem:$0x5600] =	vst v63  }
0x4c: {  	s24 =	sor.u32 @!p0 $0x400, s24;
	s25 =	simm.s32 @!p0 $0x48;
	s26 =	simm.s32 @!p0 $0x3000  }
0x4d: {  	[tilespmem:s26], [sflag:$0x1] =	stream.indirect.gather @!p0 [hbm4b:s4+s25], $0x20, s24, s25, $0xb8;
	[tilespmem:$0x5600] =	vst v63  }
0x4e: {  	_ =	swait.ge [sflag:s17], $0x1900  }
0x4f: {  	[sflag:s17] =	ssyncset.done $0x0  }
0x50: {  	s24 =	simm.s32 $0x0;
	[sflag:s17] =	ssyncadd.s32 $0xFFFFE700  }
0x51: {  	v0 =	vld [tilespmem:s24+$0x39C0]  }
0x52: {  	v1 =	vld [tilespmem:s24+$0x39D0]  }
0x53: {  	v2 =	vld [tilespmem:s24+$0x3980]  }
0x54: {  	v3 =	vld [tilespmem:s24+$0x3990]  }
0x55: {  	v4 =	vld [tilespmem:s24+$0x3940]  }
0x56: {  	v5 =	vld [tilespmem:s24+$0x3950]  }
0x57: {  	v10 =	vld [tilespmem:s24+$0x3900]  }
0x58: {  	v8 =	vimm.f32 $0.0e+00;
	v11 =	vld [tilespmem:s24+$0x3910]  }
0x59: {  	s23 =	sadd.s32 $0x1, s23;
	v9 =	vimm.f32 $0.0e+00;
	v7 =	vimm.f32 $0.0e+00;
	v6 =	vimm.f32 $0.0e+00;
	s25 =	simm.s32 $0x400;
	v12 =	vld [tilespmem:s24+$0x3920]  }
.LBB2_6:
0x5a: {  	p0 =	sne.s32 s25, $0x6000;
	v13 =	vld [tilespmem:s24+$0x3930]  }
0x5b: {  	v14 =	vld [tilespmem:s24+$0x3960]  }
0x5c: {  	v15 =	vld [tilespmem:s24+$0x3970]  }
0x5d: {  	v16 =	vld [tilespmem:s24+$0x39A0]  }
0x5e: {  	v6 =	vadd.f32 v10, v6;
	v7 =	vadd.f32 v11, v7;
	v10 =	vld [tilespmem:s24+$0x39B0]  }
0x5f: {  	v9 =	vadd.f32 v12, v9;
	v8 =	vadd.f32 v13, v8;
	v11 =	vld [tilespmem:s24+$0x39E0]  }
0x60: {  	v4 =	vadd.f32 v4, v6;
	v5 =	vadd.f32 v5, v7;
	v12 =	vld [tilespmem:s24+$0x39F0];
	s24 =	sshra.s32 s25, $0x2  }
0x61: {  	v6 =	vadd.f32 v14, v9;
	v13 =	vld [tilespmem:s24+$0x39C0];
	v7 =	vadd.f32 v15, v8  }
0x62: {  	v4 =	vadd.f32 v2, v4;
	v5 =	vadd.f32 v3, v5;
	v14 =	vld [tilespmem:s24+$0x39D0]  }
0x63: {  	v8 =	vadd.f32 v16, v6;
	v2 =	vld [tilespmem:s24+$0x3980];
	v10 =	vadd.f32 v10, v7  }
0x64: {  	v6 =	vadd.f32 v0, v4;
	v7 =	vadd.f32 v1, v5;
	v3 =	vld [tilespmem:s24+$0x3990]  }
.Ltmp1:
0x65: {  	v9 =	vadd.f32 v11, v8;
	v4 =	vld [tilespmem:s24+$0x3940];
	v8 =	vadd.f32 v12, v10;
	(pc) =	sbr.rel @p0 .LBB2_6-.Ltmp1, $4  }
0x66: {  	v5 =	vld [tilespmem:s24+$0x3950];
	v0 =	vmov v13  }
0x67: {  	v10 =	vld [tilespmem:s24+$0x3900];
	v1 =	vmov v14  }
0x68: {  	v11 =	vld [tilespmem:s24+$0x3910]  }
0x69: {  	s25 =	sadd.s32 $0x400, s25;
	v12 =	vld [tilespmem:s24+$0x3920]  }
0x6a: {  	v13 =	vld [tilespmem:s24+$0x3930]  }
0x6b: {  	v14 =	vld [tilespmem:s24+$0x3960]  }
0x6c: {  	v15 =	vld [tilespmem:s24+$0x3970]  }
0x6d: {  	v16 =	vld [tilespmem:s24+$0x39A0]  }
0x6e: {  	v56 =	vld [tilespmem:s24+$0x39B0];
	v6 =	vadd.f32 v10, v6;
	v9 =	vadd.f32 v12, v9  }
0x6f: {  	v57 =	vld [tilespmem:s24+$0x39E0];
	v7 =	vadd.f32 v11, v7;
	v8 =	vadd.f32 v13, v8  }
0x70: {  	v58 =	vld [tilespmem:s24+$0x39F0];
	v4 =	vadd.f32 v4, v6;
	v9 =	vadd.f32 v14, v9  }
0x71: {  	v5 =	vadd.f32 v5, v7;
	v59 =	vadd.f32 v15, v8  }
0x72: {  	v2 =	vadd.f32 v2, v4;
	v60 =	vadd.f32 v16, v9  }
0x73: {  	v3 =	vadd.f32 v3, v5;
	v61 =	vadd.f32 v56, v59  }
0x74: {  	p0 =	sne.s32 s23, $0x10;
	v0 =	vadd.f32 v0, v2;
	v62 =	vadd.f32 v57, v60  }
.Ltmp2:
0x75: {  	v1 =	vadd.f32 v1, v3;
	v63 =	vadd.f32 v58, v61;
	(pc) =	sbr.rel @p0 .LBB2_3-.Ltmp2, $4  }
0x76: {  	v0 =	vadd.f32 v62, v0  }
0x77: {  	s22 =	sshra.s32 s22, $0x2;
	v1 =	vadd.f32 v63, v1  }
0x78: {  	[tilespmem:s22+$0x5200] =	vst v0  }
0x79: {  	[tilespmem:s22+$0x5210] =	vst v1  }
0x7a: {  	s20 =	sadd.s32 $0x1, s20  }
0x7b: {  	s21 =	sshll.u32 s21, $0x2;
	p0 =	sne.s32 s20, $0x10  }
.Ltmp3:
0x7c: {  	s21 =	sadd.s32 s5, s21;
	(pc) =	sbr.rel @p0 .LBB2_2-.Ltmp3, $4  }
0x7d: {  	[hbm4b:s21+s1] =	stream.linear.scatter [tilespmem:s18], [sflag:$0x3], $0x400, $0x38;
	[tilespmem:$0x5600] =	vst v63  }
0x7e: {  	_ =	swait.ge [sflag:s8], $0x400  }
0x7f: {  	[sflag:s8] =	ssyncset.done $0x0  }
0x80: {  	[sflag:s8] =	ssyncadd.s32 $0xFFFFFC00  }
0x81: {  	s19 =	sadd.s32 $0x1, s19  }
0x82: {  	p0 =	sne.s32 s19, s7  }
.Ltmp4:
0x83: {  	_ = 	snop;
	(pc) =	sbr.rel @p0 .LBB2_1-.Ltmp4, $1  }
0x84: {  	_ =	sdelay $0x3  }
0x85: {  	_ =	sfence.sel $0x180000  }
0x86: {  	[bflag:$0x0] =	sbarrier.arrive $0xFFFF  }
0x87: {  	p0 =	sne.s32 s2, $0x0;
	_ =	strace $0x90000047  }
0x88: {  	s0 =	sadd.s32 @!p0 $0x100000, s0;
	[bflag:$0x2] =	sbarrier.arrive $0xFFFF  }
0x89: {  	[sflag:s0] =	ssyncadd.tile.s32 @!p0 $0x1;
	_ =	shalt  }
.Lfunc_end2:
_tile_overlayer_lowered:
.L_overlay_start_2:
0x8a: {  	(tag) =	ssettag $0x2  }
0x8b: {  	s0 =	rddreg [dreg:$0x0];
	s2 =	stileid.u32  }
0x8c: {  	s1 =	rddreg [dreg:$0x1];
	p0 =	sne.s32 s2, $0x0  }
0x8d: {  	s3 =	rddreg [dreg:$0x2];
	[bflag:$0x3] =	sbarrier.arrive $0xFFFF;
	s2 =	simm.s32 @!p0 $0x1C03  }
0x8e: {  	[timem:s3], [sflag:s2] =	dma.local @!p0 [hbm:s0], s1  }
0x8f: {  	s0 =	simm.s32 @!p0 $0x3  }
0x90: {  	_ =	swait.ge @!p0 [sflag:s0], s1  }
0x91: {  	s1 =	ssub.s32 @!p0 $0x0, s1;
	[sflag:s0] =	ssyncset.done @!p0 $0x0  }
0x92: {  	[sflag:s0] =	ssyncadd.s32 @!p0 s1  }
0x93: {  	[bflag:$0x3] =	sbarrier.arrive $0xFFFF  }
0x94: {  	_ =	shalt  }

</sc_bundles>
